<compile_context>
chip_gen: v7x
topology: tpu7x:2x2x1
jax: 0.10.2.dev20260603
libtpu: 0.0.44.dev20260713+nightly
codegen_flags: <defaults>
</compile_context>

<pallas_src>
import functools

import jax
import jax.numpy as jnp
from jax import lax
from jax.experimental import pallas as pl
from jax.experimental.pallas import tpu as pltpu
from jax.experimental.pallas import tpu_sc as plsc

NF = 8000
NA = 2000
N = NF + NA
IN = 128
HID = 64
R = 3
E = 320000

NC = 2
NS = 16
NW = NC * NS
CHUNK = 128
NCHUNK = 79
GBYTES = CHUNK * HID * 4
EPW = NCHUNK * CHUNK
EPC = NS * EPW
ACC_ROWS = 2 * N + 96
DUMMY = 2 * N
RPW = ACC_ROWS // NS

_f32 = jnp.float32



def _sc_edge_body(yflat, src3, dst3, zrows, out, srcv, dstv,
                  rows_a, rows_b, rows_c,
                  acc, sga, sgb, sgc, ssa, ssb, ssc):
    cid = lax.axis_index("c")
    sid = lax.axis_index("s")
    wid = cid * NS + sid
    pltpu.sync_copy(src3.at[wid], srcv)
    pltpu.sync_copy(dst3.at[wid], dstv)
    r0 = sid * RPW
    pltpu.sync_copy(zrows, acc.at[pl.ds(r0, RPW)])
    plsc.subcore_barrier()

    dummy = yflat.at[pl.ds(0, CHUNK)]
    drain_ga = pltpu.make_async_copy(dummy, rows_a, sga)
    drain_gb = pltpu.make_async_copy(dummy, rows_b, sgb)
    drain_gc = pltpu.make_async_copy(dummy, rows_c, sgc)
    drain_sa = pltpu.make_async_copy(dummy, rows_a, ssa)
    drain_sb = pltpu.make_async_copy(dummy, rows_b, ssb)
    drain_sc = pltpu.make_async_copy(dummy, rows_c, ssc)
    pltpu.async_copy(yflat.at[srcv.at[0]], rows_a, sga)
    pltpu.async_copy(yflat.at[srcv.at[1]], rows_b, sgb)
    nrounds = (NCHUNK - 1) // 3

    def round_(k, carry):
        j0 = 3 * k
        drain_ga.wait()
        pltpu.async_copy(yflat.at[srcv.at[j0 + 2]], rows_c, sgc)
        pltpu.async_copy(rows_a, acc.at[dstv.at[j0]], ssa, add=True)
        drain_gb.wait()
        drain_sa.wait()
        pltpu.async_copy(yflat.at[srcv.at[j0 + 3]], rows_a, sga)
        pltpu.async_copy(rows_b, acc.at[dstv.at[j0 + 1]], ssb, add=True)
        drain_gc.wait()
        drain_sb.wait()

        @pl.when(k + 1 < nrounds)
        def _():
            pltpu.async_copy(yflat.at[srcv.at[j0 + 4]], rows_b, sgb)

        pltpu.async_copy(rows_c, acc.at[dstv.at[j0 + 2]], ssc, add=True)
        drain_sc.wait()
        return carry

    lax.fori_loop(0, nrounds, round_, 0)
    drain_ga.wait()
    pltpu.sync_copy(rows_a, acc.at[dstv.at[NCHUNK - 1]], add=True)
    plsc.subcore_barrier()
    pltpu.sync_copy(acc.at[pl.ds(r0, RPW)], out.at[cid, pl.ds(r0, RPW)])


def _sc_count_body(dst3, ones16, z16, out, dstv, onesv, cnt):
    cid = lax.axis_index("c")
    sid = lax.axis_index("s")
    wid = cid * NS + sid
    pltpu.sync_copy(dst3.at[wid], dstv)
    pltpu.sync_copy(ones16, onesv)
    r0 = sid * RPW
    pltpu.sync_copy(z16, cnt.at[pl.ds(r0, RPW)])
    plsc.subcore_barrier()

    def body(j, carry):
        pltpu.sync_copy(onesv, cnt.at[dstv.at[j]], add=True)
        return carry

    lax.fori_loop(0, NCHUNK, body, 0)
    plsc.subcore_barrier()
    pltpu.sync_copy(cnt.at[pl.ds(r0, RPW)], out.at[cid, pl.ds(r0, RPW)])


@functools.cache
def _sc_kernels():
    mesh = plsc.VectorSubcoreMesh(core_axis_name="c", subcore_axis_name="s",
                                  num_cores=NC, num_subcores=NS)
    params = pltpu.CompilerParams(use_tc_tiling_on_sc=False)
    edge = pl.kernel(
        _sc_edge_body,
        out_type=jax.ShapeDtypeStruct((NC, ACC_ROWS, HID), _f32),
        mesh=mesh,
        compiler_params=params,
        scratch_types=(
            [pltpu.VMEM((NCHUNK, CHUNK), jnp.int32)] * 2
            + [pltpu.VMEM((CHUNK, HID), _f32)] * 3
            + [pltpu.VMEM_SHARED((ACC_ROWS, HID), _f32)]
            + [pltpu.SemaphoreType.DMA] * 6
        ),
    )
    count = pl.kernel(
        _sc_count_body,
        out_type=jax.ShapeDtypeStruct((NC, ACC_ROWS, 16), _f32),
        mesh=mesh,
        compiler_params=params,
        scratch_types=[
            pltpu.VMEM((NCHUNK, CHUNK), jnp.int32),
            pltpu.VMEM((CHUNK, 16), _f32),
            pltpu.VMEM_SHARED((ACC_ROWS, 16), _f32),
        ],
    )
    return edge, count


def _sc_edge_kernel(yflat, src3, dst3, zrows):
    return _sc_kernels()[0](yflat, src3, dst3, zrows)


def _sc_count_kernel(dst3, ones16, z16):
    return _sc_kernels()[1](dst3, ones16, z16)



def _rel_weights(comp_ref, basis_ref):
    wfull = jnp.tensordot(comp_ref[...], basis_ref[...], axes=[[1], [0]],
                          preferred_element_type=_f32)
    return [wfull[r] for r in range(R)]


def _tc_enc_body(x_ref, wenc_ref, benc_ref, comp_ref, basis_ref, root_ref,
                 yrel_ref, yroot_ref):
    x0 = jnp.dot(x_ref[...], wenc_ref[0], preferred_element_type=_f32)
    x0 = jnp.maximum(x0 + benc_ref[0], 0.0)
    ws = _rel_weights(comp_ref, basis_ref)
    for r in range(R):
        yrel_ref[r] = jnp.dot(x0, ws[r], preferred_element_type=_f32)
    yroot_ref[...] = jnp.dot(x0, root_ref[...], preferred_element_type=_f32)


def _tc_encode_transform(x, wenc, benc, comp, basis, root):
    rows = x.shape[0]
    bm = 1000
    nb = rows // bm
    return pl.pallas_call(
        _tc_enc_body,
        grid=(nb,),
        in_specs=[
            pl.BlockSpec((bm, IN), lambda i: (i, 0)),
            pl.BlockSpec((1, IN, HID), lambda i: (0, 0, 0)),
            pl.BlockSpec((1, 1, HID), lambda i: (0, 0, 0)),
            pl.BlockSpec(comp.shape, lambda i: (0, 0)),
            pl.BlockSpec(basis.shape, lambda i: (0, 0, 0)),
            pl.BlockSpec((HID, HID), lambda i: (0, 0)),
        ],
        out_specs=[
            pl.BlockSpec((R, bm, HID), lambda i: (0, i, 0)),
            pl.BlockSpec((bm, HID), lambda i: (i, 0)),
        ],
        out_shape=[
            jax.ShapeDtypeStruct((R, rows, HID), _f32),
            jax.ShapeDtypeStruct((rows, HID), _f32),
        ],
    )(x, wenc, benc, comp, basis, root)


def _mean_relu(accp_ref, cntp_ref, yroot_ref, bias_ref):
    s = yroot_ref[...] + bias_ref[...]
    for c in range(NC):
        a = accp_ref[c, 0]
        cnt = jnp.max(cntp_ref[c, 0], axis=-1, keepdims=True)
        s = s + a * (1.0 / jnp.maximum(cnt, 1.0))
    a2 = accp_ref[0, 1] + accp_ref[1, 1]
    c2 = jnp.max(cntp_ref[0, 1] + cntp_ref[1, 1], axis=-1, keepdims=True)
    s = s + a2 * (1.0 / jnp.maximum(c2, 1.0))
    return jnp.maximum(s, 0.0)


def _tc_epi_mid_body(accp_ref, cntp_ref, yroot_ref, bias_ref, comp_ref,
                     basis_ref, root_ref, yrel_ref, yroot2_ref):
    x1 = _mean_relu(accp_ref, cntp_ref, yroot_ref, bias_ref)
    ws = _rel_weights(comp_ref, basis_ref)
    for r in range(R):
        yrel_ref[r] = jnp.dot(x1, ws[r], preferred_element_type=_f32)
    yroot2_ref[...] = jnp.dot(x1, root_ref[...], preferred_element_type=_f32)


def _tc_epilogue_mid(accp, cntp, yroot, bias, comp, basis, root):
    bm = 1000
    nb = N // bm
    return pl.pallas_call(
        _tc_epi_mid_body,
        grid=(nb,),
        in_specs=[
            pl.BlockSpec((NC, 2, bm, HID), lambda i: (0, 0, i, 0)),
            pl.BlockSpec((NC, 2, bm, 16), lambda i: (0, 0, i, 0)),
            pl.BlockSpec((bm, HID), lambda i: (i, 0)),
            pl.BlockSpec((1, HID), lambda i: (0, 0)),
            pl.BlockSpec(comp.shape, lambda i: (0, 0)),
            pl.BlockSpec(basis.shape, lambda i: (0, 0, 0)),
            pl.BlockSpec((HID, HID), lambda i: (0, 0)),
        ],
        out_specs=[
            pl.BlockSpec((R, bm, HID), lambda i: (0, i, 0)),
            pl.BlockSpec((bm, HID), lambda i: (i, 0)),
        ],
        out_shape=[
            jax.ShapeDtypeStruct((R, N, HID), _f32),
            jax.ShapeDtypeStruct((N, HID), _f32),
        ],
    )(accp, cntp, yroot, bias.reshape(1, HID), comp, basis, root)


def _tc_epi_fin_body(accp_ref, cntp_ref, yroot_ref, bias_ref, wro_ref,
                     bro_ref, out_ref):
    x2 = _mean_relu(accp_ref, cntp_ref, yroot_ref, bias_ref)
    out_ref[...] = jnp.dot(x2, wro_ref[...], preferred_element_type=_f32) \
        + bro_ref[...]


def _tc_epilogue_final(accp, cntp, yroot, bias, wro, bro):
    bm = 1000
    nb = NF // bm
    return pl.pallas_call(
        _tc_epi_fin_body,
        grid=(nb,),
        in_specs=[
            pl.BlockSpec((NC, 2, bm, HID), lambda i: (0, 0, i, 0)),
            pl.BlockSpec((NC, 2, bm, 16), lambda i: (0, 0, i, 0)),
            pl.BlockSpec((bm, HID), lambda i: (i, 0)),
            pl.BlockSpec((1, HID), lambda i: (0, 0)),
            pl.BlockSpec((HID, 1), lambda i: (0, 0)),
            pl.BlockSpec((1, 1), lambda i: (0, 0)),
        ],
        out_specs=pl.BlockSpec((bm, 1), lambda i: (i, 0)),
        out_shape=jax.ShapeDtypeStruct((NF, 1), _f32),
    )(accp, cntp, yroot, bias.reshape(1, HID), wro, bro.reshape(1, 1))



def kernel(x_flight, x_airport, edge_index_fa, edge_index_af, edge_index_ff,
           W_enc_flight, b_enc_flight, W_enc_airport, b_enc_airport,
           comp0, basis0, root0, bias0, comp1, basis1, root1, bias1,
           W_ro, b_ro):
    fa0 = edge_index_fa[0].astype(jnp.int32)
    fa1 = edge_index_fa[1].astype(jnp.int32)
    af0 = edge_index_af[0].astype(jnp.int32)
    af1 = edge_index_af[1].astype(jnp.int32)
    ff0 = edge_index_ff[0].astype(jnp.int32)
    ff1 = edge_index_ff[1].astype(jnp.int32)
    eh = ff0.shape[0] // 2
    npad = EPC - (fa0.shape[0] + eh)
    padi = jnp.zeros((npad,), jnp.int32)
    padd = jnp.full((npad,), DUMMY, jnp.int32)
    src_c0 = jnp.concatenate([fa0, ff0[:eh] + 2 * N, padi])
    dst_c0 = jnp.concatenate([fa1 + NF, ff1[:eh] + N, padd])
    src_c1 = jnp.concatenate([af0 + (NF + N), ff0[eh:] + 2 * N, padi])
    dst_c1 = jnp.concatenate([af1, ff1[eh:] + N, padd])
    src3 = jnp.concatenate([src_c0, src_c1]).reshape(NW, NCHUNK, CHUNK)
    dst3 = jnp.concatenate([dst_c0, dst_c1]).reshape(NW, NCHUNK, CHUNK)

    zrows = jnp.zeros((RPW, HID), _f32)
    z16 = jnp.zeros((RPW, 16), _f32)
    ones16 = jnp.ones((CHUNK, 16), _f32)

    cnt_out = _sc_count_kernel(dst3, ones16, z16)
    cntp = cnt_out[:, :2 * N, :].reshape(NC, 2, N, 16)

    yrel_f, yroot_f = _tc_encode_transform(
        x_flight, W_enc_flight.reshape(1, IN, HID),
        b_enc_flight.reshape(1, 1, HID), comp0, basis0, root0)
    yrel_a, yroot_a = _tc_encode_transform(
        x_airport, W_enc_airport.reshape(1, IN, HID),
        b_enc_airport.reshape(1, 1, HID), comp0, basis0, root0)
    yrel0 = jnp.concatenate([yrel_f, yrel_a], axis=1)
    yroot0 = jnp.concatenate([yroot_f, yroot_a], axis=0)
    yflat0 = yrel0.reshape(R * N, HID)

    acc0 = _sc_edge_kernel(yflat0, src3, dst3, zrows)
    accp0 = acc0[:, :2 * N, :].reshape(NC, 2, N, HID)
    yrel1, yroot1 = _tc_epilogue_mid(
        accp0, cntp, yroot0, bias0, comp1, basis1, root1)
    yflat1 = yrel1.reshape(R * N, HID)

    acc1 = _sc_edge_kernel(yflat1, src3, dst3, zrows)
    accp1 = acc1[:, :2 * N, :].reshape(NC, 2, N, HID)
    out = _tc_epilogue_final(accp1, cntp, yroot1[:NF], bias1, W_ro, b_ro)
    return out.squeeze(-1)

# --- scband reference (transcript-rebuilt; emitter-appended) ---
"""Pipeline reference for scband-rgcn-33423435498008 (READ-ONLY COPY).

The authoritative reference and input builder live on the scoring server;
editing this copy changes nothing except your own understanding.
"""

import jax, jax.numpy as jnp
import numpy as np

NF = 8000
NA = 2000
N = NF + NA
IN = 128
HID = 64
R = 3
NB = 3
E0 = 120000
E1 = 120000
E2 = 80000
SEGS = [(0, E0), (E0, E0 + E1), (E0 + E1, E0 + E1 + E2)]


def setup_inputs(seed: int = 0):
    key = jax.random.key(seed)
    ks = jax.random.split(key, 24)
    sc = 0.05
    inp = {}
    inp["x_flight"] = jax.random.normal(ks[0], (NF, IN), dtype=jnp.float32)
    inp["x_airport"] = jax.random.normal(ks[1], (NA, IN), dtype=jnp.float32)
    inp["edge_index_fa"] = jax.random.randint(ks[2], (2, E0), 0, 2000)
    inp["edge_index_af"] = jax.random.randint(ks[3], (2, E1), 0, 2000)
    inp["edge_index_ff"] = jax.random.randint(ks[4], (2, E2), 0, 8000)
    inp["W_enc_flight"] = jax.random.normal(ks[5], (IN, HID), dtype=jnp.float32) * sc
    inp["b_enc_flight"] = jnp.zeros((HID,), dtype=jnp.float32)
    inp["W_enc_airport"] = jax.random.normal(ks[6], (IN, HID), dtype=jnp.float32) * sc
    inp["b_enc_airport"] = jnp.zeros((HID,), dtype=jnp.float32)
    inp["comp0"] = jax.random.normal(ks[7], (R, NB), dtype=jnp.float32) * sc
    inp["basis0"] = jax.random.normal(ks[8], (NB, HID, HID), dtype=jnp.float32) * sc
    inp["root0"] = jax.random.normal(ks[9], (HID, HID), dtype=jnp.float32) * sc
    inp["bias0"] = jnp.zeros((HID,), dtype=jnp.float32)
    inp["comp1"] = jax.random.normal(ks[10], (R, NB), dtype=jnp.float32) * sc
    inp["basis1"] = jax.random.normal(ks[11], (NB, HID, HID), dtype=jnp.float32) * sc
    inp["root1"] = jax.random.normal(ks[12], (HID, HID), dtype=jnp.float32) * sc
    inp["bias1"] = jnp.zeros((HID,), dtype=jnp.float32)
    inp["W_ro"] = jax.random.normal(ks[13], (HID, 1), dtype=jnp.float32) * sc
    inp["b_ro"] = jnp.zeros((1,), dtype=jnp.float32)
    return inp


def _rgcn_conv(x, src, dst, comp, basis, root, bias):
    # PyG RGCNConv with basis decomposition, mean aggregation per relation,
    # root weight and bias. Edges are grouped by relation (static segments).
    out = jnp.zeros((N, x.shape[1]), dtype=x.dtype)
    for r in range(R):
        s, e = SEGS[r]
        W_r = jnp.einsum('b,bij->ij', comp[r], basis)
        msg = x[src[s:e]] @ W_r
        summed = jax.ops.segment_sum(msg, dst[s:e], num_segments=N)
        cnt = jax.ops.segment_sum(jnp.ones((e - s,), dtype=x.dtype), dst[s:e], num_segments=N)
        out = out + summed / jnp.maximum(cnt, 1.0)[:, None]
    return out + x @ root + bias


def reference(x_flight, x_airport, edge_index_fa, edge_index_af, edge_index_ff,
              W_enc_flight, b_enc_flight, W_enc_airport, b_enc_airport,
              comp0, basis0, root0, bias0, comp1, basis1, root1, bias1,
              W_ro, b_ro):
    # per-type encoders + relu
    xf = jax.nn.relu(x_flight @ W_enc_flight + b_enc_flight)
    xa = jax.nn.relu(x_airport @ W_enc_airport + b_enc_airport)
    # homogeneous packing: flight offset 0, airport offset NF
    x = jnp.concatenate([xf, xa], axis=0)
    # offset edge indices per relation: (flight->airport), (airport->flight), (flight->flight)
    src = jnp.concatenate([edge_index_fa[0], edge_index_af[0] + NF, edge_index_ff[0]])
    dst = jnp.concatenate([edge_index_fa[1] + NF, edge_index_af[1], edge_index_ff[1]])
    # two RGCN layers with relu (dropout is identity in eval mode)
    x = jax.nn.relu(_rgcn_conv(x, src, dst, comp0, basis0, root0, bias0))
    x = jax.nn.relu(_rgcn_conv(x, src, dst, comp1, basis1, root1, bias1))
    flight_x = x[:NF]
    return (flight_x @ W_ro + b_ro).squeeze(-1)

if __name__ == "__main__":
    import jax
    _d = setup_inputs()
    print(jax.jit(kernel)(*tuple(_d.values())))

</pallas_src>

<mosaic_0001>
#map = affine_map<(d0, d1) -> (0, 0)>
#map1 = affine_map<(d0, d1) -> (0, 0, 0)>
module attributes {stable_mosaic.version = 14 : i64} {
  func.func @_sc_edge_body(%arg0: i32, %arg1: i32, %arg2: memref<30000x64xf32, #tpu.memory_space<hbm>>, %arg3: memref<32x79x128xi32, #tpu.memory_space<hbm>>, %arg4: memref<32x79x128xi32, #tpu.memory_space<hbm>>, %arg5: memref<1256x64xf32, #tpu.memory_space<hbm>>, %arg6: memref<2x20096x64xf32, #tpu.memory_space<hbm>>, %arg7: memref<79x128xi32, #tpu.memory_space<vmem>>, %arg8: memref<79x128xi32, #tpu.memory_space<vmem>>, %arg9: memref<128x64xf32, #tpu.memory_space<vmem>>, %arg10: memref<128x64xf32, #tpu.memory_space<vmem>>, %arg11: memref<128x64xf32, #tpu.memory_space<vmem>>, %arg12: memref<20096x64xf32, #tpu.memory_space<vmem_shared>>, %arg13: memref<!tpu.dma_semaphore, #tpu.memory_space<semaphore_mem>>, %arg14: memref<!tpu.dma_semaphore, #tpu.memory_space<semaphore_mem>>, %arg15: memref<!tpu.dma_semaphore, #tpu.memory_space<semaphore_mem>>, %arg16: memref<!tpu.dma_semaphore, #tpu.memory_space<semaphore_mem>>, %arg17: memref<!tpu.dma_semaphore, #tpu.memory_space<semaphore_mem>>, %arg18: memref<!tpu.dma_semaphore, #tpu.memory_space<semaphore_mem>>) attributes {dimension_semantics = [#tpu.dimension_semantics<core_parallel>, #tpu.dimension_semantics<subcore_parallel>], iteration_bounds = array<i64: 2, 16>, scalar_prefetch = 0 : i64, scratch_operands = 12 : i64, tpu.core_type = #tpu.core_type<sc_vector_subcore>, window_params = [{transform_indices = #map}, {transform_indices = #map1}, {transform_indices = #map1}, {transform_indices = #map}, {transform_indices = #map1}]} {
    %mul3A = arith.constant 16 : i32
    %mul3A_0 = arith.muli %arg0, %mul3A : i32
    %add3A = arith.addi %mul3A_0, %arg1 : i32
    "tpu.region"() ({
      %run_scoped3A_27 = tpu.sem_alloc : memref<!tpu.dma_semaphore, #tpu.memory_space<semaphore_mem>>
      %dma_start3A_28 = arith.constant 0 : i32
      %dma_start3A_29 = arith.constant 0 : i32
      %dma_start3A_30 = tpu.memref_slice %arg3[%add3A, %dma_start3A_28, %dma_start3A_29] : memref<32x79x128xi32, #tpu.memory_space<hbm>> -> memref<1x79x128xi32, #tpu.memory_space<hbm>>
      %dma_start3A_31 = tpu.memref_squeeze %dma_start3A_30 : memref<1x79x128xi32, #tpu.memory_space<hbm>> -> memref<79x128xi32, #tpu.memory_space<hbm>>
      %dma_start3A_32 = arith.constant 0 : i32
      %dma_start3A_33 = arith.constant 0 : i32
      %dma_start3A_34 = tpu.memref_slice %arg3[%add3A, %dma_start3A_32, %dma_start3A_33] : memref<32x79x128xi32, #tpu.memory_space<hbm>> -> memref<1x79x128xi32, #tpu.memory_space<hbm>>
      %dma_start3A_35 = tpu.memref_squeeze %dma_start3A_34 : memref<1x79x128xi32, #tpu.memory_space<hbm>> -> memref<79x128xi32, #tpu.memory_space<hbm>>
      tpu.enqueue_dma source(%dma_start3A_35 : memref<79x128xi32, #tpu.memory_space<hbm>>) target(%arg7 : memref<79x128xi32, #tpu.memory_space<vmem>>) target_semaphore(%run_scoped3A_27 : memref<!tpu.dma_semaphore, #tpu.memory_space<semaphore_mem>>)
      %dma_wait3A_36 = arith.constant 0 : i32
      %dma_wait3A_37 = arith.constant 0 : i32
      %dma_wait3A_38 = tpu.memref_slice %arg3[%add3A, %dma_wait3A_36, %dma_wait3A_37] : memref<32x79x128xi32, #tpu.memory_space<hbm>> -> memref<1x79x128xi32, #tpu.memory_space<hbm>>
      %dma_wait3A_39 = tpu.memref_squeeze %dma_wait3A_38 : memref<1x79x128xi32, #tpu.memory_space<hbm>> -> memref<79x128xi32, #tpu.memory_space<hbm>>
      %dma_wait3A_40 = arith.constant 0 : i32
      %dma_wait3A_41 = arith.constant 0 : i32
      %dma_wait3A_42 = tpu.memref_slice %arg3[%add3A, %dma_wait3A_40, %dma_wait3A_41] : memref<32x79x128xi32, #tpu.memory_space<hbm>> -> memref<1x79x128xi32, #tpu.memory_space<hbm>>
      %dma_wait3A_43 = tpu.memref_squeeze %dma_wait3A_42 : memref<1x79x128xi32, #tpu.memory_space<hbm>> -> memref<79x128xi32, #tpu.memory_space<hbm>>
      tpu.wait_dma2 semaphore(%run_scoped3A_27 : memref<!tpu.dma_semaphore, #tpu.memory_space<semaphore_mem>>) src(%dma_wait3A_43 : memref<79x128xi32, #tpu.memory_space<hbm>>) dst(%arg7 : memref<79x128xi32, #tpu.memory_space<vmem>>)
      tpu.yield
    }) : () -> ()
    "tpu.region"() ({
      %run_scoped3A_27 = tpu.sem_alloc : memref<!tpu.dma_semaphore, #tpu.memory_space<semaphore_mem>>
      %dma_start3A_28 = arith.constant 0 : i32
      %dma_start3A_29 = arith.constant 0 : i32
      %dma_start3A_30 = tpu.memref_slice %arg4[%add3A, %dma_start3A_28, %dma_start3A_29] : memref<32x79x128xi32, #tpu.memory_space<hbm>> -> memref<1x79x128xi32, #tpu.memory_space<hbm>>
      %dma_start3A_31 = tpu.memref_squeeze %dma_start3A_30 : memref<1x79x128xi32, #tpu.memory_space<hbm>> -> memref<79x128xi32, #tpu.memory_space<hbm>>
      %dma_start3A_32 = arith.constant 0 : i32
      %dma_start3A_33 = arith.constant 0 : i32
      %dma_start3A_34 = tpu.memref_slice %arg4[%add3A, %dma_start3A_32, %dma_start3A_33] : memref<32x79x128xi32, #tpu.memory_space<hbm>> -> memref<1x79x128xi32, #tpu.memory_space<hbm>>
      %dma_start3A_35 = tpu.memref_squeeze %dma_start3A_34 : memref<1x79x128xi32, #tpu.memory_space<hbm>> -> memref<79x128xi32, #tpu.memory_space<hbm>>
      tpu.enqueue_dma source(%dma_start3A_35 : memref<79x128xi32, #tpu.memory_space<hbm>>) target(%arg8 : memref<79x128xi32, #tpu.memory_space<vmem>>) target_semaphore(%run_scoped3A_27 : memref<!tpu.dma_semaphore, #tpu.memory_space<semaphore_mem>>)
      %dma_wait3A_36 = arith.constant 0 : i32
      %dma_wait3A_37 = arith.constant 0 : i32
      %dma_wait3A_38 = tpu.memref_slice %arg4[%add3A, %dma_wait3A_36, %dma_wait3A_37] : memref<32x79x128xi32, #tpu.memory_space<hbm>> -> memref<1x79x128xi32, #tpu.memory_space<hbm>>
      %dma_wait3A_39 = tpu.memref_squeeze %dma_wait3A_38 : memref<1x79x128xi32, #tpu.memory_space<hbm>> -> memref<79x128xi32, #tpu.memory_space<hbm>>
      %dma_wait3A_40 = arith.constant 0 : i32
      %dma_wait3A_41 = arith.constant 0 : i32
      %dma_wait3A_42 = tpu.memref_slice %arg4[%add3A, %dma_wait3A_40, %dma_wait3A_41] : memref<32x79x128xi32, #tpu.memory_space<hbm>> -> memref<1x79x128xi32, #tpu.memory_space<hbm>>
      %dma_wait3A_43 = tpu.memref_squeeze %dma_wait3A_42 : memref<1x79x128xi32, #tpu.memory_space<hbm>> -> memref<79x128xi32, #tpu.memory_space<hbm>>
      tpu.wait_dma2 semaphore(%run_scoped3A_27 : memref<!tpu.dma_semaphore, #tpu.memory_space<semaphore_mem>>) src(%dma_wait3A_43 : memref<79x128xi32, #tpu.memory_space<hbm>>) dst(%arg8 : memref<79x128xi32, #tpu.memory_space<vmem>>)
      tpu.yield
    }) : () -> ()
    %mul3A_1 = arith.constant 1256 : i32
    %mul3A_2 = arith.muli %arg1, %mul3A_1 : i32
    "tpu.region"() ({
      %run_scoped3A_27 = tpu.sem_alloc : memref<!tpu.dma_semaphore, #tpu.memory_space<semaphore_mem>>
      %dma_start3A_28 = arith.constant 0 : i32
      %dma_start3A_29 = tpu.memref_slice %arg12[%mul3A_2, %dma_start3A_28] : memref<20096x64xf32, #tpu.memory_space<vmem_shared>> -> memref<1256x64xf32, #tpu.memory_space<vmem_shared>>
      tpu.enqueue_dma source(%arg5 : memref<1256x64xf32, #tpu.memory_space<hbm>>) target(%dma_start3A_29 : memref<1256x64xf32, #tpu.memory_space<vmem_shared>>) target_semaphore(%run_scoped3A_27 : memref<!tpu.dma_semaphore, #tpu.memory_space<semaphore_mem>>)
      %dma_wait3A_30 = arith.constant 0 : i32
      %dma_wait3A_31 = tpu.memref_slice %arg12[%mul3A_2, %dma_wait3A_30] : memref<20096x64xf32, #tpu.memory_space<vmem_shared>> -> memref<1256x64xf32, #tpu.memory_space<vmem_shared>>
      tpu.wait_dma2 semaphore(%run_scoped3A_27 : memref<!tpu.dma_semaphore, #tpu.memory_space<semaphore_mem>>) src(%arg5 : memref<1256x64xf32, #tpu.memory_space<hbm>>) dst(%dma_wait3A_31 : memref<1256x64xf32, #tpu.memory_space<vmem_shared>>)
      tpu.yield
    }) : () -> ()
    %barrier3A = arith.constant 0 : index
    tpu.barrier barrier_id(%barrier3A)
    %dma_start3A = arith.constant 0 : i32
    %dma_start3A_3 = arith.constant 0 : i32
    %dma_start3A_4 = tpu.memref_slice %arg7[%dma_start3A, %dma_start3A_3] : memref<79x128xi32, #tpu.memory_space<vmem>> -> memref<1x128xi32, #tpu.memory_space<vmem>>
    %dma_start3A_5 = tpu.memref_squeeze %dma_start3A_4 : memref<1x128xi32, #tpu.memory_space<vmem>> -> memref<128xi32, #tpu.memory_space<vmem>>
    %dma_start3A_6 = arith.constant 0 : i32
    %dma_start3A_7 = arith.constant 0 : i32
    %dma_start3A_8 = tpu.memref_slice %arg2[%dma_start3A_6, %dma_start3A_7] : memref<30000x64xf32, #tpu.memory_space<hbm>> -> memref<30000x64xf32, #tpu.memory_space<hbm>>
    tpu.enqueue_indirect_dma source(%dma_start3A_8 : memref<30000x64xf32, #tpu.memory_space<hbm>>) target(%arg9 : memref<128x64xf32, #tpu.memory_space<vmem>>) offsets(%dma_start3A_5 : memref<128xi32, #tpu.memory_space<vmem>>) semaphore(%arg13 : memref<!tpu.dma_semaphore, #tpu.memory_space<semaphore_mem>>)
    %dma_start3A_9 = arith.constant 1 : i32
    %dma_start3A_10 = arith.constant 0 : i32
    %dma_start3A_11 = tpu.memref_slice %arg7[%dma_start3A_9, %dma_start3A_10] : memref<79x128xi32, #tpu.memory_space<vmem>> -> memref<1x128xi32, #tpu.memory_space<vmem>>
    %dma_start3A_12 = tpu.memref_squeeze %dma_start3A_11 : memref<1x128xi32, #tpu.memory_space<vmem>> -> memref<128xi32, #tpu.memory_space<vmem>>
    %dma_start3A_13 = arith.constant 0 : i32
    %dma_start3A_14 = arith.constant 0 : i32
    %dma_start3A_15 = tpu.memref_slice %arg2[%dma_start3A_13, %dma_start3A_14] : memref<30000x64xf32, #tpu.memory_space<hbm>> -> memref<30000x64xf32, #tpu.memory_space<hbm>>
    tpu.enqueue_indirect_dma source(%dma_start3A_15 : memref<30000x64xf32, #tpu.memory_space<hbm>>) target(%arg10 : memref<128x64xf32, #tpu.memory_space<vmem>>) offsets(%dma_start3A_12 : memref<128xi32, #tpu.memory_space<vmem>>) semaphore(%arg14 : memref<!tpu.dma_semaphore, #tpu.memory_space<semaphore_mem>>)
    %scan3A = arith.constant 0 : i32
    %scan3A_16 = arith.constant 0 : i32
    %scan3A_17 = arith.constant 26 : i32
    %scan3A_18 = arith.addi %scan3A_16, %scan3A_17 : i32
    %scan3A_19 = arith.constant 1 : i32
    scf.for %scan3A_27 = %scan3A_16 to %scan3A_18 step %scan3A_19  : i32 {
      %mul3A_28 = arith.constant 3 : i32
      %mul3A_29 = arith.muli %mul3A_28, %scan3A_27 : i32
      %dma_wait3A_30 = arith.constant 0 : i32
      %dma_wait3A_31 = arith.constant 0 : i32
      %dma_wait3A_32 = tpu.memref_slice %arg2[%dma_wait3A_30, %dma_wait3A_31] : memref<30000x64xf32, #tpu.memory_space<hbm>> -> memref<128x64xf32, #tpu.memory_space<hbm>>
      %dma_wait3A_33 = arith.constant 0 : i32
      %dma_wait3A_34 = arith.constant 0 : i32
      %dma_wait3A_35 = tpu.memref_slice %arg2[%dma_wait3A_33, %dma_wait3A_34] : memref<30000x64xf32, #tpu.memory_space<hbm>> -> memref<128x64xf32, #tpu.memory_space<hbm>>
      tpu.wait_dma2 semaphore(%arg13 : memref<!tpu.dma_semaphore, #tpu.memory_space<semaphore_mem>>) src(%dma_wait3A_35 : memref<128x64xf32, #tpu.memory_space<hbm>>) dst(%arg9 : memref<128x64xf32, #tpu.memory_space<vmem>>)
      %add3A_36 = arith.constant 2 : i32
      %add3A_37 = arith.addi %mul3A_29, %add3A_36 : i32
      %dma_start3A_38 = arith.constant 0 : i32
      %dma_start3A_39 = tpu.memref_slice %arg7[%add3A_37, %dma_start3A_38] : memref<79x128xi32, #tpu.memory_space<vmem>> -> memref<1x128xi32, #tpu.memory_space<vmem>>
      %dma_start3A_40 = tpu.memref_squeeze %dma_start3A_39 : memref<1x128xi32, #tpu.memory_space<vmem>> -> memref<128xi32, #tpu.memory_space<vmem>>
      %dma_start3A_41 = arith.constant 0 : i32
      %dma_start3A_42 = arith.constant 0 : i32
      %dma_start3A_43 = tpu.memref_slice %arg2[%dma_start3A_41, %dma_start3A_42] : memref<30000x64xf32, #tpu.memory_space<hbm>> -> memref<30000x64xf32, #tpu.memory_space<hbm>>
      tpu.enqueue_indirect_dma source(%dma_start3A_43 : memref<30000x64xf32, #tpu.memory_space<hbm>>) target(%arg11 : memref<128x64xf32, #tpu.memory_space<vmem>>) offsets(%dma_start3A_40 : memref<128xi32, #tpu.memory_space<vmem>>) semaphore(%arg15 : memref<!tpu.dma_semaphore, #tpu.memory_space<semaphore_mem>>)
      %dma_start3A_44 = arith.constant 0 : i32
      %dma_start3A_45 = tpu.memref_slice %arg8[%mul3A_29, %dma_start3A_44] : memref<79x128xi32, #tpu.memory_space<vmem>> -> memref<1x128xi32, #tpu.memory_space<vmem>>
      %dma_start3A_46 = tpu.memref_squeeze %dma_start3A_45 : memref<1x128xi32, #tpu.memory_space<vmem>> -> memref<128xi32, #tpu.memory_space<vmem>>
      %dma_start3A_47 = arith.constant 0 : i32
      %dma_start3A_48 = arith.constant 0 : i32
      %dma_start3A_49 = tpu.memref_slice %arg12[%dma_start3A_47, %dma_start3A_48] : memref<20096x64xf32, #tpu.memory_space<vmem_shared>> -> memref<20096x64xf32, #tpu.memory_space<vmem_shared>>
      tpu.enqueue_indirect_dma source(%arg9 : memref<128x64xf32, #tpu.memory_space<vmem>>) target(%dma_start3A_49 : memref<20096x64xf32, #tpu.memory_space<vmem_shared>>) offsets(%dma_start3A_46 : memref<128xi32, #tpu.memory_space<vmem>>) semaphore(%arg16 : memref<!tpu.dma_semaphore, #tpu.memory_space<semaphore_mem>>) {add = true}
      %dma_wait3A_50 = arith.constant 0 : i32
      %dma_wait3A_51 = arith.constant 0 : i32
      %dma_wait3A_52 = tpu.memref_slice %arg2[%dma_wait3A_50, %dma_wait3A_51] : memref<30000x64xf32, #tpu.memory_space<hbm>> -> memref<128x64xf32, #tpu.memory_space<hbm>>
      %dma_wait3A_53 = arith.constant 0 : i32
      %dma_wait3A_54 = arith.constant 0 : i32
      %dma_wait3A_55 = tpu.memref_slice %arg2[%dma_wait3A_53, %dma_wait3A_54] : memref<30000x64xf32, #tpu.memory_space<hbm>> -> memref<128x64xf32, #tpu.memory_space<hbm>>
      tpu.wait_dma2 semaphore(%arg14 : memref<!tpu.dma_semaphore, #tpu.memory_space<semaphore_mem>>) src(%dma_wait3A_55 : memref<128x64xf32, #tpu.memory_space<hbm>>) dst(%arg10 : memref<128x64xf32, #tpu.memory_space<vmem>>)
      %dma_wait3A_56 = arith.constant 0 : i32
      %dma_wait3A_57 = arith.constant 0 : i32
      %dma_wait3A_58 = tpu.memref_slice %arg2[%dma_wait3A_56, %dma_wait3A_57] : memref<30000x64xf32, #tpu.memory_space<hbm>> -> memref<128x64xf32, #tpu.memory_space<hbm>>
      %dma_wait3A_59 = arith.constant 0 : i32
      %dma_wait3A_60 = arith.constant 0 : i32
      %dma_wait3A_61 = tpu.memref_slice %arg2[%dma_wait3A_59, %dma_wait3A_60] : memref<30000x64xf32, #tpu.memory_space<hbm>> -> memref<128x64xf32, #tpu.memory_space<hbm>>
      tpu.wait_dma2 semaphore(%arg16 : memref<!tpu.dma_semaphore, #tpu.memory_space<semaphore_mem>>) src(%dma_wait3A_61 : memref<128x64xf32, #tpu.memory_space<hbm>>) dst(%arg9 : memref<128x64xf32, #tpu.memory_space<vmem>>)
      %add3A_62 = arith.constant 3 : i32
      %add3A_63 = arith.addi %mul3A_29, %add3A_62 : i32
      %dma_start3A_64 = arith.constant 0 : i32
      %dma_start3A_65 = tpu.memref_slice %arg7[%add3A_63, %dma_start3A_64] : memref<79x128xi32, #tpu.memory_space<vmem>> -> memref<1x128xi32, #tpu.memory_space<vmem>>
      %dma_start3A_66 = tpu.memref_squeeze %dma_start3A_65 : memref<1x128xi32, #tpu.memory_space<vmem>> -> memref<128xi32, #tpu.memory_space<vmem>>
      %dma_start3A_67 = arith.constant 0 : i32
      %dma_start3A_68 = arith.constant 0 : i32
      %dma_start3A_69 = tpu.memref_slice %arg2[%dma_start3A_67, %dma_start3A_68] : memref<30000x64xf32, #tpu.memory_space<hbm>> -> memref<30000x64xf32, #tpu.memory_space<hbm>>
      tpu.enqueue_indirect_dma source(%dma_start3A_69 : memref<30000x64xf32, #tpu.memory_space<hbm>>) target(%arg9 : memref<128x64xf32, #tpu.memory_space<vmem>>) offsets(%dma_start3A_66 : memref<128xi32, #tpu.memory_space<vmem>>) semaphore(%arg13 : memref<!tpu.dma_semaphore, #tpu.memory_space<semaphore_mem>>)
      %add3A_70 = arith.constant 1 : i32
      %add3A_71 = arith.addi %mul3A_29, %add3A_70 : i32
      %dma_start3A_72 = arith.constant 0 : i32
      %dma_start3A_73 = tpu.memref_slice %arg8[%add3A_71, %dma_start3A_72] : memref<79x128xi32, #tpu.memory_space<vmem>> -> memref<1x128xi32, #tpu.memory_space<vmem>>
      %dma_start3A_74 = tpu.memref_squeeze %dma_start3A_73 : memref<1x128xi32, #tpu.memory_space<vmem>> -> memref<128xi32, #tpu.memory_space<vmem>>
      %dma_start3A_75 = arith.constant 0 : i32
      %dma_start3A_76 = arith.constant 0 : i32
      %dma_start3A_77 = tpu.memref_slice %arg12[%dma_start3A_75, %dma_start3A_76] : memref<20096x64xf32, #tpu.memory_space<vmem_shared>> -> memref<20096x64xf32, #tpu.memory_space<vmem_shared>>
      tpu.enqueue_indirect_dma source(%arg10 : memref<128x64xf32, #tpu.memory_space<vmem>>) target(%dma_start3A_77 : memref<20096x64xf32, #tpu.memory_space<vmem_shared>>) offsets(%dma_start3A_74 : memref<128xi32, #tpu.memory_space<vmem>>) semaphore(%arg17 : memref<!tpu.dma_semaphore, #tpu.memory_space<semaphore_mem>>) {add = true}
      %dma_wait3A_78 = arith.constant 0 : i32
      %dma_wait3A_79 = arith.constant 0 : i32
      %dma_wait3A_80 = tpu.memref_slice %arg2[%dma_wait3A_78, %dma_wait3A_79] : memref<30000x64xf32, #tpu.memory_space<hbm>> -> memref<128x64xf32, #tpu.memory_space<hbm>>
      %dma_wait3A_81 = arith.constant 0 : i32
      %dma_wait3A_82 = arith.constant 0 : i32
      %dma_wait3A_83 = tpu.memref_slice %arg2[%dma_wait3A_81, %dma_wait3A_82] : memref<30000x64xf32, #tpu.memory_space<hbm>> -> memref<128x64xf32, #tpu.memory_space<hbm>>
      tpu.wait_dma2 semaphore(%arg15 : memref<!tpu.dma_semaphore, #tpu.memory_space<semaphore_mem>>) src(%dma_wait3A_83 : memref<128x64xf32, #tpu.memory_space<hbm>>) dst(%arg11 : memref<128x64xf32, #tpu.memory_space<vmem>>)
      %dma_wait3A_84 = arith.constant 0 : i32
      %dma_wait3A_85 = arith.constant 0 : i32
      %dma_wait3A_86 = tpu.memref_slice %arg2[%dma_wait3A_84, %dma_wait3A_85] : memref<30000x64xf32, #tpu.memory_space<hbm>> -> memref<128x64xf32, #tpu.memory_space<hbm>>
      %dma_wait3A_87 = arith.constant 0 : i32
      %dma_wait3A_88 = arith.constant 0 : i32
      %dma_wait3A_89 = tpu.memref_slice %arg2[%dma_wait3A_87, %dma_wait3A_88] : memref<30000x64xf32, #tpu.memory_space<hbm>> -> memref<128x64xf32, #tpu.memory_space<hbm>>
      tpu.wait_dma2 semaphore(%arg17 : memref<!tpu.dma_semaphore, #tpu.memory_space<semaphore_mem>>) src(%dma_wait3A_89 : memref<128x64xf32, #tpu.memory_space<hbm>>) dst(%arg10 : memref<128x64xf32, #tpu.memory_space<vmem>>)
      %add3A_90 = arith.constant 1 : i32
      %add3A_91 = arith.addi %scan3A_27, %add3A_90 : i32
      %lt3A = arith.constant 26 : i32
      %lt3A_92 = arith.cmpi slt, %add3A_91, %lt3A : i32
      %convert_element_type3A = arith.extui %lt3A_92 : i1 to i32
      %cond3A = arith.constant 0 : i32
      %cond3A_93 = arith.cmpi ne, %convert_element_type3A, %cond3A : i32
      scf.if %cond3A_93 {
        %add3A_108 = arith.constant 4 : i32
        %add3A_109 = arith.addi %mul3A_29, %add3A_108 : i32
        %dma_start3A_110 = arith.constant 0 : i32
        %dma_start3A_111 = tpu.memref_slice %arg7[%add3A_109, %dma_start3A_110] : memref<79x128xi32, #tpu.memory_space<vmem>> -> memref<1x128xi32, #tpu.memory_space<vmem>>
        %dma_start3A_112 = tpu.memref_squeeze %dma_start3A_111 : memref<1x128xi32, #tpu.memory_space<vmem>> -> memref<128xi32, #tpu.memory_space<vmem>>
        %dma_start3A_113 = arith.constant 0 : i32
        %dma_start3A_114 = arith.constant 0 : i32
        %dma_start3A_115 = tpu.memref_slice %arg2[%dma_start3A_113, %dma_start3A_114] : memref<30000x64xf32, #tpu.memory_space<hbm>> -> memref<30000x64xf32, #tpu.memory_space<hbm>>
        tpu.enqueue_indirect_dma source(%dma_start3A_115 : memref<30000x64xf32, #tpu.memory_space<hbm>>) target(%arg10 : memref<128x64xf32, #tpu.memory_space<vmem>>) offsets(%dma_start3A_112 : memref<128xi32, #tpu.memory_space<vmem>>) semaphore(%arg14 : memref<!tpu.dma_semaphore, #tpu.memory_space<semaphore_mem>>)
      } else {
      }
      %add3A_94 = arith.constant 2 : i32
      %add3A_95 = arith.addi %mul3A_29, %add3A_94 : i32
      %dma_start3A_96 = arith.constant 0 : i32
      %dma_start3A_97 = tpu.memref_slice %arg8[%add3A_95, %dma_start3A_96] : memref<79x128xi32, #tpu.memory_space<vmem>> -> memref<1x128xi32, #tpu.memory_space<vmem>>
      %dma_start3A_98 = tpu.memref_squeeze %dma_start3A_97 : memref<1x128xi32, #tpu.memory_space<vmem>> -> memref<128xi32, #tpu.memory_space<vmem>>
      %dma_start3A_99 = arith.constant 0 : i32
      %dma_start3A_100 = arith.constant 0 : i32
      %dma_start3A_101 = tpu.memref_slice %arg12[%dma_start3A_99, %dma_start3A_100] : memref<20096x64xf32, #tpu.memory_space<vmem_shared>> -> memref<20096x64xf32, #tpu.memory_space<vmem_shared>>
      tpu.enqueue_indirect_dma source(%arg11 : memref<128x64xf32, #tpu.memory_space<vmem>>) target(%dma_start3A_101 : memref<20096x64xf32, #tpu.memory_space<vmem_shared>>) offsets(%dma_start3A_98 : memref<128xi32, #tpu.memory_space<vmem>>) semaphore(%arg18 : memref<!tpu.dma_semaphore, #tpu.memory_space<semaphore_mem>>) {add = true}
      %dma_wait3A_102 = arith.constant 0 : i32
      %dma_wait3A_103 = arith.constant 0 : i32
      %dma_wait3A_104 = tpu.memref_slice %arg2[%dma_wait3A_102, %dma_wait3A_103] : memref<30000x64xf32, #tpu.memory_space<hbm>> -> memref<128x64xf32, #tpu.memory_space<hbm>>
      %dma_wait3A_105 = arith.constant 0 : i32
      %dma_wait3A_106 = arith.constant 0 : i32
      %dma_wait3A_107 = tpu.memref_slice %arg2[%dma_wait3A_105, %dma_wait3A_106] : memref<30000x64xf32, #tpu.memory_space<hbm>> -> memref<128x64xf32, #tpu.memory_space<hbm>>
      tpu.wait_dma2 semaphore(%arg18 : memref<!tpu.dma_semaphore, #tpu.memory_space<semaphore_mem>>) src(%dma_wait3A_107 : memref<128x64xf32, #tpu.memory_space<hbm>>) dst(%arg11 : memref<128x64xf32, #tpu.memory_space<vmem>>)
    }
    %scan3A_20 = arith.constant 26 : i32
    %dma_wait3A = arith.constant 0 : i32
    %dma_wait3A_21 = arith.constant 0 : i32
    %dma_wait3A_22 = tpu.memref_slice %arg2[%dma_wait3A, %dma_wait3A_21] : memref<30000x64xf32, #tpu.memory_space<hbm>> -> memref<128x64xf32, #tpu.memory_space<hbm>>
    %dma_wait3A_23 = arith.constant 0 : i32
    %dma_wait3A_24 = arith.constant 0 : i32
    %dma_wait3A_25 = tpu.memref_slice %arg2[%dma_wait3A_23, %dma_wait3A_24] : memref<30000x64xf32, #tpu.memory_space<hbm>> -> memref<128x64xf32, #tpu.memory_space<hbm>>
    tpu.wait_dma2 semaphore(%arg13 : memref<!tpu.dma_semaphore, #tpu.memory_space<semaphore_mem>>) src(%dma_wait3A_25 : memref<128x64xf32, #tpu.memory_space<hbm>>) dst(%arg9 : memref<128x64xf32, #tpu.memory_space<vmem>>)
    %run_scoped3A = arith.constant 78 : i32
    "tpu.region"() ({
      %run_scoped3A_27 = tpu.sem_alloc : memref<!tpu.dma_semaphore, #tpu.memory_space<semaphore_mem>>
      %dma_start3A_28 = arith.constant 0 : i32
      %dma_start3A_29 = tpu.memref_slice %arg8[%run_scoped3A, %dma_start3A_28] : memref<79x128xi32, #tpu.memory_space<vmem>> -> memref<1x128xi32, #tpu.memory_space<vmem>>
      %dma_start3A_30 = tpu.memref_squeeze %dma_start3A_29 : memref<1x128xi32, #tpu.memory_space<vmem>> -> memref<128xi32, #tpu.memory_space<vmem>>
      %dma_start3A_31 = arith.constant 0 : i32
      %dma_start3A_32 = arith.constant 0 : i32
      %dma_start3A_33 = tpu.memref_slice %arg12[%dma_start3A_31, %dma_start3A_32] : memref<20096x64xf32, #tpu.memory_space<vmem_shared>> -> memref<20096x64xf32, #tpu.memory_space<vmem_shared>>
      tpu.enqueue_indirect_dma source(%arg9 : memref<128x64xf32, #tpu.memory_space<vmem>>) target(%dma_start3A_33 : memref<20096x64xf32, #tpu.memory_space<vmem_shared>>) offsets(%dma_start3A_30 : memref<128xi32, #tpu.memory_space<vmem>>) semaphore(%run_scoped3A_27 : memref<!tpu.dma_semaphore, #tpu.memory_space<semaphore_mem>>) {add = true}
      %dma_wait3A_34 = arith.constant 0 : i32
      %dma_wait3A_35 = tpu.memref_slice %arg8[%run_scoped3A, %dma_wait3A_34] : memref<79x128xi32, #tpu.memory_space<vmem>> -> memref<1x128xi32, #tpu.memory_space<vmem>>
      %dma_wait3A_36 = tpu.memref_squeeze %dma_wait3A_35 : memref<1x128xi32, #tpu.memory_space<vmem>> -> memref<128xi32, #tpu.memory_space<vmem>>
      %dma_wait3A_37 = arith.constant 0 : i32
      %dma_wait3A_38 = arith.constant 0 : i32
      %dma_wait3A_39 = tpu.memref_slice %arg12[%dma_wait3A_37, %dma_wait3A_38] : memref<20096x64xf32, #tpu.memory_space<vmem_shared>> -> memref<20096x64xf32, #tpu.memory_space<vmem_shared>>
      tpu.wait_indirect_dma semaphore(%run_scoped3A_27 : memref<!tpu.dma_semaphore, #tpu.memory_space<semaphore_mem>>) src(%arg9 : memref<128x64xf32, #tpu.memory_space<vmem>>) dst(%dma_wait3A_39 : memref<20096x64xf32, #tpu.memory_space<vmem_shared>>)
      tpu.yield
    }) : () -> ()
    %barrier3A_26 = arith.constant 0 : index
    tpu.barrier barrier_id(%barrier3A_26)
    "tpu.region"() ({
      %run_scoped3A_27 = tpu.sem_alloc : memref<!tpu.dma_semaphore, #tpu.memory_space<semaphore_mem>>
      %dma_start3A_28 = arith.constant 0 : i32
      %dma_start3A_29 = tpu.memref_slice %arg6[%arg0, %mul3A_2, %dma_start3A_28] : memref<2x20096x64xf32, #tpu.memory_space<hbm>> -> memref<1x1256x64xf32, #tpu.memory_space<hbm>>
      %dma_start3A_30 = tpu.memref_squeeze %dma_start3A_29 : memref<1x1256x64xf32, #tpu.memory_space<hbm>> -> memref<1256x64xf32, #tpu.memory_space<hbm>>
      %dma_start3A_31 = arith.constant 0 : i32
      %dma_start3A_32 = tpu.memref_slice %arg12[%mul3A_2, %dma_start3A_31] : memref<20096x64xf32, #tpu.memory_space<vmem_shared>> -> memref<1256x64xf32, #tpu.memory_space<vmem_shared>>
      tpu.enqueue_dma source(%dma_start3A_32 : memref<1256x64xf32, #tpu.memory_space<vmem_shared>>) target(%dma_start3A_30 : memref<1256x64xf32, #tpu.memory_space<hbm>>) target_semaphore(%run_scoped3A_27 : memref<!tpu.dma_semaphore, #tpu.memory_space<semaphore_mem>>)
      %dma_wait3A_33 = arith.constant 0 : i32
      %dma_wait3A_34 = tpu.memref_slice %arg6[%arg0, %mul3A_2, %dma_wait3A_33] : memref<2x20096x64xf32, #tpu.memory_space<hbm>> -> memref<1x1256x64xf32, #tpu.memory_space<hbm>>
      %dma_wait3A_35 = tpu.memref_squeeze %dma_wait3A_34 : memref<1x1256x64xf32, #tpu.memory_space<hbm>> -> memref<1256x64xf32, #tpu.memory_space<hbm>>
      %dma_wait3A_36 = arith.constant 0 : i32
      %dma_wait3A_37 = tpu.memref_slice %arg12[%mul3A_2, %dma_wait3A_36] : memref<20096x64xf32, #tpu.memory_space<vmem_shared>> -> memref<1256x64xf32, #tpu.memory_space<vmem_shared>>
      tpu.wait_dma2 semaphore(%run_scoped3A_27 : memref<!tpu.dma_semaphore, #tpu.memory_space<semaphore_mem>>) src(%dma_wait3A_37 : memref<1256x64xf32, #tpu.memory_space<vmem_shared>>) dst(%dma_wait3A_35 : memref<1256x64xf32, #tpu.memory_space<hbm>>)
      tpu.yield
    }) : () -> ()
    return
  }
}

#map = affine_map<(d0, d1) -> (0, 0)>
#map1 = affine_map<(d0, d1) -> (0, 0, 0)>
module attributes {stable_mosaic.version = 14 : i64} {
  func.func @_sc_edge_body(%arg0: i32, %arg1: i32, %arg2: memref<30000x64xf32, #tpu.memory_space<hbm>>, %arg3: memref<32x79x128xi32, #tpu.memory_space<hbm>>, %arg4: memref<32x79x128xi32, #tpu.memory_space<hbm>>, %arg5: memref<1256x64xf32, #tpu.memory_space<hbm>>, %arg6: memref<2x20096x64xf32, #tpu.memory_space<hbm>>, %arg7: memref<79x128xi32, #tpu.memory_space<vmem>>, %arg8: memref<79x128xi32, #tpu.memory_space<vmem>>, %arg9: memref<128x64xf32, #tpu.memory_space<vmem>>, %arg10: memref<128x64xf32, #tpu.memory_space<vmem>>, %arg11: memref<128x64xf32, #tpu.memory_space<vmem>>, %arg12: memref<20096x64xf32, #tpu.memory_space<vmem_shared>>, %arg13: memref<!tpu.dma_semaphore, #tpu.memory_space<semaphore_mem>>, %arg14: memref<!tpu.dma_semaphore, #tpu.memory_space<semaphore_mem>>, %arg15: memref<!tpu.dma_semaphore, #tpu.memory_space<semaphore_mem>>, %arg16: memref<!tpu.dma_semaphore, #tpu.memory_space<semaphore_mem>>, %arg17: memref<!tpu.dma_semaphore, #tpu.memory_space<semaphore_mem>>, %arg18: memref<!tpu.dma_semaphore, #tpu.memory_space<semaphore_mem>>) attributes {dimension_semantics = [#tpu.dimension_semantics<core_parallel>, #tpu.dimension_semantics<subcore_parallel>], iteration_bounds = array<i64: 2, 16>, scalar_prefetch = 0 : i64, scratch_operands = 12 : i64, tpu.core_type = #tpu.core_type<sc_vector_subcore>, window_params = [{transform_indices = #map}, {transform_indices = #map1}, {transform_indices = #map1}, {transform_indices = #map}, {transform_indices = #map1}]} {
    %mul3A = arith.constant 16 : i32
    %mul3A_0 = arith.muli %arg0, %mul3A : i32
    %add3A = arith.addi %mul3A_0, %arg1 : i32
    "tpu.region"() ({
      %run_scoped3A_27 = tpu.sem_alloc : memref<!tpu.dma_semaphore, #tpu.memory_space<semaphore_mem>>
      %dma_start3A_28 = arith.constant 0 : i32
      %dma_start3A_29 = arith.constant 0 : i32
      %dma_start3A_30 = tpu.memref_slice %arg3[%add3A, %dma_start3A_28, %dma_start3A_29] : memref<32x79x128xi32, #tpu.memory_space<hbm>> -> memref<1x79x128xi32, #tpu.memory_space<hbm>>
      %dma_start3A_31 = tpu.memref_squeeze %dma_start3A_30 : memref<1x79x128xi32, #tpu.memory_space<hbm>> -> memref<79x128xi32, #tpu.memory_space<hbm>>
      %dma_start3A_32 = arith.constant 0 : i32
      %dma_start3A_33 = arith.constant 0 : i32
      %dma_start3A_34 = tpu.memref_slice %arg3[%add3A, %dma_start3A_32, %dma_start3A_33] : memref<32x79x128xi32, #tpu.memory_space<hbm>> -> memref<1x79x128xi32, #tpu.memory_space<hbm>>
      %dma_start3A_35 = tpu.memref_squeeze %dma_start3A_34 : memref<1x79x128xi32, #tpu.memory_space<hbm>> -> memref<79x128xi32, #tpu.memory_space<hbm>>
      tpu.enqueue_dma source(%dma_start3A_35 : memref<79x128xi32, #tpu.memory_space<hbm>>) target(%arg7 : memref<79x128xi32, #tpu.memory_space<vmem>>) target_semaphore(%run_scoped3A_27 : memref<!tpu.dma_semaphore, #tpu.memory_space<semaphore_mem>>)
      %dma_wait3A_36 = arith.constant 0 : i32
      %dma_wait3A_37 = arith.constant 0 : i32
      %dma_wait3A_38 = tpu.memref_slice %arg3[%add3A, %dma_wait3A_36, %dma_wait3A_37] : memref<32x79x128xi32, #tpu.memory_space<hbm>> -> memref<1x79x128xi32, #tpu.memory_space<hbm>>
      %dma_wait3A_39 = tpu.memref_squeeze %dma_wait3A_38 : memref<1x79x128xi32, #tpu.memory_space<hbm>> -> memref<79x128xi32, #tpu.memory_space<hbm>>
      %dma_wait3A_40 = arith.constant 0 : i32
      %dma_wait3A_41 = arith.constant 0 : i32
      %dma_wait3A_42 = tpu.memref_slice %arg3[%add3A, %dma_wait3A_40, %dma_wait3A_41] : memref<32x79x128xi32, #tpu.memory_space<hbm>> -> memref<1x79x128xi32, #tpu.memory_space<hbm>>
      %dma_wait3A_43 = tpu.memref_squeeze %dma_wait3A_42 : memref<1x79x128xi32, #tpu.memory_space<hbm>> -> memref<79x128xi32, #tpu.memory_space<hbm>>
      tpu.wait_dma2 semaphore(%run_scoped3A_27 : memref<!tpu.dma_semaphore, #tpu.memory_space<semaphore_mem>>) src(%dma_wait3A_43 : memref<79x128xi32, #tpu.memory_space<hbm>>) dst(%arg7 : memref<79x128xi32, #tpu.memory_space<vmem>>)
      tpu.yield
    }) : () -> ()
    "tpu.region"() ({
      %run_scoped3A_27 = tpu.sem_alloc : memref<!tpu.dma_semaphore, #tpu.memory_space<semaphore_mem>>
      %dma_start3A_28 = arith.constant 0 : i32
      %dma_start3A_29 = arith.constant 0 : i32
      %dma_start3A_30 = tpu.memref_slice %arg4[%add3A, %dma_start3A_28, %dma_start3A_29] : memref<32x79x128xi32, #tpu.memory_space<hbm>> -> memref<1x79x128xi32, #tpu.memory_space<hbm>>
      %dma_start3A_31 = tpu.memref_squeeze %dma_start3A_30 : memref<1x79x128xi32, #tpu.memory_space<hbm>> -> memref<79x128xi32, #tpu.memory_space<hbm>>
      %dma_start3A_32 = arith.constant 0 : i32
      %dma_start3A_33 = arith.constant 0 : i32
      %dma_start3A_34 = tpu.memref_slice %arg4[%add3A, %dma_start3A_32, %dma_start3A_33] : memref<32x79x128xi32, #tpu.memory_space<hbm>> -> memref<1x79x128xi32, #tpu.memory_space<hbm>>
      %dma_start3A_35 = tpu.memref_squeeze %dma_start3A_34 : memref<1x79x128xi32, #tpu.memory_space<hbm>> -> memref<79x128xi32, #tpu.memory_space<hbm>>
      tpu.enqueue_dma source(%dma_start3A_35 : memref<79x128xi32, #tpu.memory_space<hbm>>) target(%arg8 : memref<79x128xi32, #tpu.memory_space<vmem>>) target_semaphore(%run_scoped3A_27 : memref<!tpu.dma_semaphore, #tpu.memory_space<semaphore_mem>>)
      %dma_wait3A_36 = arith.constant 0 : i32
      %dma_wait3A_37 = arith.constant 0 : i32
      %dma_wait3A_38 = tpu.memref_slice %arg4[%add3A, %dma_wait3A_36, %dma_wait3A_37] : memref<32x79x128xi32, #tpu.memory_space<hbm>> -> memref<1x79x128xi32, #tpu.memory_space<hbm>>
      %dma_wait3A_39 = tpu.memref_squeeze %dma_wait3A_38 : memref<1x79x128xi32, #tpu.memory_space<hbm>> -> memref<79x128xi32, #tpu.memory_space<hbm>>
      %dma_wait3A_40 = arith.constant 0 : i32
      %dma_wait3A_41 = arith.constant 0 : i32
      %dma_wait3A_42 = tpu.memref_slice %arg4[%add3A, %dma_wait3A_40, %dma_wait3A_41] : memref<32x79x128xi32, #tpu.memory_space<hbm>> -> memref<1x79x128xi32, #tpu.memory_space<hbm>>
      %dma_wait3A_43 = tpu.memref_squeeze %dma_wait3A_42 : memref<1x79x128xi32, #tpu.memory_space<hbm>> -> memref<79x128xi32, #tpu.memory_space<hbm>>
      tpu.wait_dma2 semaphore(%run_scoped3A_27 : memref<!tpu.dma_semaphore, #tpu.memory_space<semaphore_mem>>) src(%dma_wait3A_43 : memref<79x128xi32, #tpu.memory_space<hbm>>) dst(%arg8 : memref<79x128xi32, #tpu.memory_space<vmem>>)
      tpu.yield
    }) : () -> ()
    %mul3A_1 = arith.constant 1256 : i32
    %mul3A_2 = arith.muli %arg1, %mul3A_1 : i32
    "tpu.region"() ({
      %run_scoped3A_27 = tpu.sem_alloc : memref<!tpu.dma_semaphore, #tpu.memory_space<semaphore_mem>>
      %dma_start3A_28 = arith.constant 0 : i32
      %dma_start3A_29 = tpu.memref_slice %arg12[%mul3A_2, %dma_start3A_28] : memref<20096x64xf32, #tpu.memory_space<vmem_shared>> -> memref<1256x64xf32, #tpu.memory_space<vmem_shared>>
      tpu.enqueue_dma source(%arg5 : memref<1256x64xf32, #tpu.memory_space<hbm>>) target(%dma_start3A_29 : memref<1256x64xf32, #tpu.memory_space<vmem_shared>>) target_semaphore(%run_scoped3A_27 : memref<!tpu.dma_semaphore, #tpu.memory_space<semaphore_mem>>)
      %dma_wait3A_30 = arith.constant 0 : i32
      %dma_wait3A_31 = tpu.memref_slice %arg12[%mul3A_2, %dma_wait3A_30] : memref<20096x64xf32, #tpu.memory_space<vmem_shared>> -> memref<1256x64xf32, #tpu.memory_space<vmem_shared>>
      tpu.wait_dma2 semaphore(%run_scoped3A_27 : memref<!tpu.dma_semaphore, #tpu.memory_space<semaphore_mem>>) src(%arg5 : memref<1256x64xf32, #tpu.memory_space<hbm>>) dst(%dma_wait3A_31 : memref<1256x64xf32, #tpu.memory_space<vmem_shared>>)
      tpu.yield
    }) : () -> ()
    %barrier3A = arith.constant 0 : index
    tpu.barrier barrier_id(%barrier3A)
    %dma_start3A = arith.constant 0 : i32
    %dma_start3A_3 = arith.constant 0 : i32
    %dma_start3A_4 = tpu.memref_slice %arg7[%dma_start3A, %dma_start3A_3] : memref<79x128xi32, #tpu.memory_space<vmem>> -> memref<1x128xi32, #tpu.memory_space<vmem>>
    %dma_start3A_5 = tpu.memref_squeeze %dma_start3A_4 : memref<1x128xi32, #tpu.memory_space<vmem>> -> memref<128xi32, #tpu.memory_space<vmem>>
    %dma_start3A_6 = arith.constant 0 : i32
    %dma_start3A_7 = arith.constant 0 : i32
    %dma_start3A_8 = tpu.memref_slice %arg2[%dma_start3A_6, %dma_start3A_7] : memref<30000x64xf32, #tpu.memory_space<hbm>> -> memref<30000x64xf32, #tpu.memory_space<hbm>>
    tpu.enqueue_indirect_dma source(%dma_start3A_8 : memref<30000x64xf32, #tpu.memory_space<hbm>>) target(%arg9 : memref<128x64xf32, #tpu.memory_space<vmem>>) offsets(%dma_start3A_5 : memref<128xi32, #tpu.memory_space<vmem>>) semaphore(%arg13 : memref<!tpu.dma_semaphore, #tpu.memory_space<semaphore_mem>>)
    %dma_start3A_9 = arith.constant 1 : i32
    %dma_start3A_10 = arith.constant 0 : i32
    %dma_start3A_11 = tpu.memref_slice %arg7[%dma_start3A_9, %dma_start3A_10] : memref<79x128xi32, #tpu.memory_space<vmem>> -> memref<1x128xi32, #tpu.memory_space<vmem>>
    %dma_start3A_12 = tpu.memref_squeeze %dma_start3A_11 : memref<1x128xi32, #tpu.memory_space<vmem>> -> memref<128xi32, #tpu.memory_space<vmem>>
    %dma_start3A_13 = arith.constant 0 : i32
    %dma_start3A_14 = arith.constant 0 : i32
    %dma_start3A_15 = tpu.memref_slice %arg2[%dma_start3A_13, %dma_start3A_14] : memref<30000x64xf32, #tpu.memory_space<hbm>> -> memref<30000x64xf32, #tpu.memory_space<hbm>>
    tpu.enqueue_indirect_dma source(%dma_start3A_15 : memref<30000x64xf32, #tpu.memory_space<hbm>>) target(%arg10 : memref<128x64xf32, #tpu.memory_space<vmem>>) offsets(%dma_start3A_12 : memref<128xi32, #tpu.memory_space<vmem>>) semaphore(%arg14 : memref<!tpu.dma_semaphore, #tpu.memory_space<semaphore_mem>>)
    %scan3A = arith.constant 0 : i32
    %scan3A_16 = arith.constant 0 : i32
    %scan3A_17 = arith.constant 26 : i32
    %scan3A_18 = arith.addi %scan3A_16, %scan3A_17 : i32
    %scan3A_19 = arith.constant 1 : i32
    scf.for %scan3A_27 = %scan3A_16 to %scan3A_18 step %scan3A_19  : i32 {
      %mul3A_28 = arith.constant 3 : i32
      %mul3A_29 = arith.muli %mul3A_28, %scan3A_27 : i32
      %dma_wait3A_30 = arith.constant 0 : i32
      %dma_wait3A_31 = arith.constant 0 : i32
      %dma_wait3A_32 = tpu.memref_slice %arg2[%dma_wait3A_30, %dma_wait3A_31] : memref<30000x64xf32, #tpu.memory_space<hbm>> -> memref<128x64xf32, #tpu.memory_space<hbm>>
      %dma_wait3A_33 = arith.constant 0 : i32
      %dma_wait3A_34 = arith.constant 0 : i32
      %dma_wait3A_35 = tpu.memref_slice %arg2[%dma_wait3A_33, %dma_wait3A_34] : memref<30000x64xf32, #tpu.memory_space<hbm>> -> memref<128x64xf32, #tpu.memory_space<hbm>>
      tpu.wait_dma2 semaphore(%arg13 : memref<!tpu.dma_semaphore, #tpu.memory_space<semaphore_mem>>) src(%dma_wait3A_35 : memref<128x64xf32, #tpu.memory_space<hbm>>) dst(%arg9 : memref<128x64xf32, #tpu.memory_space<vmem>>)
      %add3A_36 = arith.constant 2 : i32
      %add3A_37 = arith.addi %mul3A_29, %add3A_36 : i32
      %dma_start3A_38 = arith.constant 0 : i32
      %dma_start3A_39 = tpu.memref_slice %arg7[%add3A_37, %dma_start3A_38] : memref<79x128xi32, #tpu.memory_space<vmem>> -> memref<1x128xi32, #tpu.memory_space<vmem>>
      %dma_start3A_40 = tpu.memref_squeeze %dma_start3A_39 : memref<1x128xi32, #tpu.memory_space<vmem>> -> memref<128xi32, #tpu.memory_space<vmem>>
      %dma_start3A_41 = arith.constant 0 : i32
      %dma_start3A_42 = arith.constant 0 : i32
      %dma_start3A_43 = tpu.memref_slice %arg2[%dma_start3A_41, %dma_start3A_42] : memref<30000x64xf32, #tpu.memory_space<hbm>> -> memref<30000x64xf32, #tpu.memory_space<hbm>>
      tpu.enqueue_indirect_dma source(%dma_start3A_43 : memref<30000x64xf32, #tpu.memory_space<hbm>>) target(%arg11 : memref<128x64xf32, #tpu.memory_space<vmem>>) offsets(%dma_start3A_40 : memref<128xi32, #tpu.memory_space<vmem>>) semaphore(%arg15 : memref<!tpu.dma_semaphore, #tpu.memory_space<semaphore_mem>>)
      %dma_start3A_44 = arith.constant 0 : i32
      %dma_start3A_45 = tpu.memref_slice %arg8[%mul3A_29, %dma_start3A_44] : memref<79x128xi32, #tpu.memory_space<vmem>> -> memref<1x128xi32, #tpu.memory_space<vmem>>
      %dma_start3A_46 = tpu.memref_squeeze %dma_start3A_45 : memref<1x128xi32, #tpu.memory_space<vmem>> -> memref<128xi32, #tpu.memory_space<vmem>>
      %dma_start3A_47 = arith.constant 0 : i32
      %dma_start3A_48 = arith.constant 0 : i32
      %dma_start3A_49 = tpu.memref_slice %arg12[%dma_start3A_47, %dma_start3A_48] : memref<20096x64xf32, #tpu.memory_space<vmem_shared>> -> memref<20096x64xf32, #tpu.memory_space<vmem_shared>>
      tpu.enqueue_indirect_dma source(%arg9 : memref<128x64xf32, #tpu.memory_space<vmem>>) target(%dma_start3A_49 : memref<20096x64xf32, #tpu.memory_space<vmem_shared>>) offsets(%dma_start3A_46 : memref<128xi32, #tpu.memory_space<vmem>>) semaphore(%arg16 : memref<!tpu.dma_semaphore, #tpu.memory_space<semaphore_mem>>) {add = true}
      %dma_wait3A_50 = arith.constant 0 : i32
      %dma_wait3A_51 = arith.constant 0 : i32
      %dma_wait3A_52 = tpu.memref_slice %arg2[%dma_wait3A_50, %dma_wait3A_51] : memref<30000x64xf32, #tpu.memory_space<hbm>> -> memref<128x64xf32, #tpu.memory_space<hbm>>
      %dma_wait3A_53 = arith.constant 0 : i32
      %dma_wait3A_54 = arith.constant 0 : i32
      %dma_wait3A_55 = tpu.memref_slice %arg2[%dma_wait3A_53, %dma_wait3A_54] : memref<30000x64xf32, #tpu.memory_space<hbm>> -> memref<128x64xf32, #tpu.memory_space<hbm>>
      tpu.wait_dma2 semaphore(%arg14 : memref<!tpu.dma_semaphore, #tpu.memory_space<semaphore_mem>>) src(%dma_wait3A_55 : memref<128x64xf32, #tpu.memory_space<hbm>>) dst(%arg10 : memref<128x64xf32, #tpu.memory_space<vmem>>)
      %dma_wait3A_56 = arith.constant 0 : i32
      %dma_wait3A_57 = arith.constant 0 : i32
      %dma_wait3A_58 = tpu.memref_slice %arg2[%dma_wait3A_56, %dma_wait3A_57] : memref<30000x64xf32, #tpu.memory_space<hbm>> -> memref<128x64xf32, #tpu.memory_space<hbm>>
      %dma_wait3A_59 = arith.constant 0 : i32
      %dma_wait3A_60 = arith.constant 0 : i32
      %dma_wait3A_61 = tpu.memref_slice %arg2[%dma_wait3A_59, %dma_wait3A_60] : memref<30000x64xf32, #tpu.memory_space<hbm>> -> memref<128x64xf32, #tpu.memory_space<hbm>>
      tpu.wait_dma2 semaphore(%arg16 : memref<!tpu.dma_semaphore, #tpu.memory_space<semaphore_mem>>) src(%dma_wait3A_61 : memref<128x64xf32, #tpu.memory_space<hbm>>) dst(%arg9 : memref<128x64xf32, #tpu.memory_space<vmem>>)
      %add3A_62 = arith.constant 3 : i32
      %add3A_63 = arith.addi %mul3A_29, %add3A_62 : i32
      %dma_start3A_64 = arith.constant 0 : i32
      %dma_start3A_65 = tpu.memref_slice %arg7[%add3A_63, %dma_start3A_64] : memref<79x128xi32, #tpu.memory_space<vmem>> -> memref<1x128xi32, #tpu.memory_space<vmem>>
      %dma_start3A_66 = tpu.memref_squeeze %dma_start3A_65 : memref<1x128xi32, #tpu.memory_space<vmem>> -> memref<128xi32, #tpu.memory_space<vmem>>
      %dma_start3A_67 = arith.constant 0 : i32
      %dma_start3A_68 = arith.constant 0 : i32
      %dma_start3A_69 = tpu.memref_slice %arg2[%dma_start3A_67, %dma_start3A_68] : memref<30000x64xf32, #tpu.memory_space<hbm>> -> memref<30000x64xf32, #tpu.memory_space<hbm>>
      tpu.enqueue_indirect_dma source(%dma_start3A_69 : memref<30000x64xf32, #tpu.memory_space<hbm>>) target(%arg9 : memref<128x64xf32, #tpu.memory_space<vmem>>) offsets(%dma_start3A_66 : memref<128xi32, #tpu.memory_space<vmem>>) semaphore(%arg13 : memref<!tpu.dma_semaphore, #tpu.memory_space<semaphore_mem>>)
      %add3A_70 = arith.constant 1 : i32
      %add3A_71 = arith.addi %mul3A_29, %add3A_70 : i32
      %dma_start3A_72 = arith.constant 0 : i32
      %dma_start3A_73 = tpu.memref_slice %arg8[%add3A_71, %dma_start3A_72] : memref<79x128xi32, #tpu.memory_space<vmem>> -> memref<1x128xi32, #tpu.memory_space<vmem>>
      %dma_start3A_74 = tpu.memref_squeeze %dma_start3A_73 : memref<1x128xi32, #tpu.memory_space<vmem>> -> memref<128xi32, #tpu.memory_space<vmem>>
      %dma_start3A_75 = arith.constant 0 : i32
      %dma_start3A_76 = arith.constant 0 : i32
      %dma_start3A_77 = tpu.memref_slice %arg12[%dma_start3A_75, %dma_start3A_76] : memref<20096x64xf32, #tpu.memory_space<vmem_shared>> -> memref<20096x64xf32, #tpu.memory_space<vmem_shared>>
      tpu.enqueue_indirect_dma source(%arg10 : memref<128x64xf32, #tpu.memory_space<vmem>>) target(%dma_start3A_77 : memref<20096x64xf32, #tpu.memory_space<vmem_shared>>) offsets(%dma_start3A_74 : memref<128xi32, #tpu.memory_space<vmem>>) semaphore(%arg17 : memref<!tpu.dma_semaphore, #tpu.memory_space<semaphore_mem>>) {add = true}
      %dma_wait3A_78 = arith.constant 0 : i32
      %dma_wait3A_79 = arith.constant 0 : i32
      %dma_wait3A_80 = tpu.memref_slice %arg2[%dma_wait3A_78, %dma_wait3A_79] : memref<30000x64xf32, #tpu.memory_space<hbm>> -> memref<128x64xf32, #tpu.memory_space<hbm>>
      %dma_wait3A_81 = arith.constant 0 : i32
      %dma_wait3A_82 = arith.constant 0 : i32
      %dma_wait3A_83 = tpu.memref_slice %arg2[%dma_wait3A_81, %dma_wait3A_82] : memref<30000x64xf32, #tpu.memory_space<hbm>> -> memref<128x64xf32, #tpu.memory_space<hbm>>
      tpu.wait_dma2 semaphore(%arg15 : memref<!tpu.dma_semaphore, #tpu.memory_space<semaphore_mem>>) src(%dma_wait3A_83 : memref<128x64xf32, #tpu.memory_space<hbm>>) dst(%arg11 : memref<128x64xf32, #tpu.memory_space<vmem>>)
      %dma_wait3A_84 = arith.constant 0 : i32
      %dma_wait3A_85 = arith.constant 0 : i32
      %dma_wait3A_86 = tpu.memref_slice %arg2[%dma_wait3A_84, %dma_wait3A_85] : memref<30000x64xf32, #tpu.memory_space<hbm>> -> memref<128x64xf32, #tpu.memory_space<hbm>>
      %dma_wait3A_87 = arith.constant 0 : i32
      %dma_wait3A_88 = arith.constant 0 : i32
      %dma_wait3A_89 = tpu.memref_slice %arg2[%dma_wait3A_87, %dma_wait3A_88] : memref<30000x64xf32, #tpu.memory_space<hbm>> -> memref<128x64xf32, #tpu.memory_space<hbm>>
      tpu.wait_dma2 semaphore(%arg17 : memref<!tpu.dma_semaphore, #tpu.memory_space<semaphore_mem>>) src(%dma_wait3A_89 : memref<128x64xf32, #tpu.memory_space<hbm>>) dst(%arg10 : memref<128x64xf32, #tpu.memory_space<vmem>>)
      %add3A_90 = arith.constant 1 : i32
      %add3A_91 = arith.addi %scan3A_27, %add3A_90 : i32
      %lt3A = arith.constant 26 : i32
      %lt3A_92 = arith.cmpi slt, %add3A_91, %lt3A : i32
      %convert_element_type3A = arith.extui %lt3A_92 : i1 to i32
      %cond3A = arith.constant 0 : i32
      %cond3A_93 = arith.cmpi ne, %convert_element_type3A, %cond3A : i32
      scf.if %cond3A_93 {
        %add3A_108 = arith.constant 4 : i32
        %add3A_109 = arith.addi %mul3A_29, %add3A_108 : i32
        %dma_start3A_110 = arith.constant 0 : i32
        %dma_start3A_111 = tpu.memref_slice %arg7[%add3A_109, %dma_start3A_110] : memref<79x128xi32, #tpu.memory_space<vmem>> -> memref<1x128xi32, #tpu.memory_space<vmem>>
        %dma_start3A_112 = tpu.memref_squeeze %dma_start3A_111 : memref<1x128xi32, #tpu.memory_space<vmem>> -> memref<128xi32, #tpu.memory_space<vmem>>
        %dma_start3A_113 = arith.constant 0 : i32
        %dma_start3A_114 = arith.constant 0 : i32
        %dma_start3A_115 = tpu.memref_slice %arg2[%dma_start3A_113, %dma_start3A_114] : memref<30000x64xf32, #tpu.memory_space<hbm>> -> memref<30000x64xf32, #tpu.memory_space<hbm>>
        tpu.enqueue_indirect_dma source(%dma_start3A_115 : memref<30000x64xf32, #tpu.memory_space<hbm>>) target(%arg10 : memref<128x64xf32, #tpu.memory_space<vmem>>) offsets(%dma_start3A_112 : memref<128xi32, #tpu.memory_space<vmem>>) semaphore(%arg14 : memref<!tpu.dma_semaphore, #tpu.memory_space<semaphore_mem>>)
      } else {
      }
      %add3A_94 = arith.constant 2 : i32
      %add3A_95 = arith.addi %mul3A_29, %add3A_94 : i32
      %dma_start3A_96 = arith.constant 0 : i32
      %dma_start3A_97 = tpu.memref_slice %arg8[%add3A_95, %dma_start3A_96] : memref<79x128xi32, #tpu.memory_space<vmem>> -> memref<1x128xi32, #tpu.memory_space<vmem>>
      %dma_start3A_98 = tpu.memref_squeeze %dma_start3A_97 : memref<1x128xi32, #tpu.memory_space<vmem>> -> memref<128xi32, #tpu.memory_space<vmem>>
      %dma_start3A_99 = arith.constant 0 : i32
      %dma_start3A_100 = arith.constant 0 : i32
      %dma_start3A_101 = tpu.memref_slice %arg12[%dma_start3A_99, %dma_start3A_100] : memref<20096x64xf32, #tpu.memory_space<vmem_shared>> -> memref<20096x64xf32, #tpu.memory_space<vmem_shared>>
      tpu.enqueue_indirect_dma source(%arg11 : memref<128x64xf32, #tpu.memory_space<vmem>>) target(%dma_start3A_101 : memref<20096x64xf32, #tpu.memory_space<vmem_shared>>) offsets(%dma_start3A_98 : memref<128xi32, #tpu.memory_space<vmem>>) semaphore(%arg18 : memref<!tpu.dma_semaphore, #tpu.memory_space<semaphore_mem>>) {add = true}
      %dma_wait3A_102 = arith.constant 0 : i32
      %dma_wait3A_103 = arith.constant 0 : i32
      %dma_wait3A_104 = tpu.memref_slice %arg2[%dma_wait3A_102, %dma_wait3A_103] : memref<30000x64xf32, #tpu.memory_space<hbm>> -> memref<128x64xf32, #tpu.memory_space<hbm>>
      %dma_wait3A_105 = arith.constant 0 : i32
      %dma_wait3A_106 = arith.constant 0 : i32
      %dma_wait3A_107 = tpu.memref_slice %arg2[%dma_wait3A_105, %dma_wait3A_106] : memref<30000x64xf32, #tpu.memory_space<hbm>> -> memref<128x64xf32, #tpu.memory_space<hbm>>
      tpu.wait_dma2 semaphore(%arg18 : memref<!tpu.dma_semaphore, #tpu.memory_space<semaphore_mem>>) src(%dma_wait3A_107 : memref<128x64xf32, #tpu.memory_space<hbm>>) dst(%arg11 : memref<128x64xf32, #tpu.memory_space<vmem>>)
    }
    %scan3A_20 = arith.constant 26 : i32
    %dma_wait3A = arith.constant 0 : i32
    %dma_wait3A_21 = arith.constant 0 : i32
    %dma_wait3A_22 = tpu.memref_slice %arg2[%dma_wait3A, %dma_wait3A_21] : memref<30000x64xf32, #tpu.memory_space<hbm>> -> memref<128x64xf32, #tpu.memory_space<hbm>>
    %dma_wait3A_23 = arith.constant 0 : i32
    %dma_wait3A_24 = arith.constant 0 : i32
    %dma_wait3A_25 = tpu.memref_slice %arg2[%dma_wait3A_23, %dma_wait3A_24] : memref<30000x64xf32, #tpu.memory_space<hbm>> -> memref<128x64xf32, #tpu.memory_space<hbm>>
    tpu.wait_dma2 semaphore(%arg13 : memref<!tpu.dma_semaphore, #tpu.memory_space<semaphore_mem>>) src(%dma_wait3A_25 : memref<128x64xf32, #tpu.memory_space<hbm>>) dst(%arg9 : memref<128x64xf32, #tpu.memory_space<vmem>>)
    %run_scoped3A = arith.constant 78 : i32
    "tpu.region"() ({
      %run_scoped3A_27 = tpu.sem_alloc : memref<!tpu.dma_semaphore, #tpu.memory_space<semaphore_mem>>
      %dma_start3A_28 = arith.constant 0 : i32
      %dma_start3A_29 = tpu.memref_slice %arg8[%run_scoped3A, %dma_start3A_28] : memref<79x128xi32, #tpu.memory_space<vmem>> -> memref<1x128xi32, #tpu.memory_space<vmem>>
      %dma_start3A_30 = tpu.memref_squeeze %dma_start3A_29 : memref<1x128xi32, #tpu.memory_space<vmem>> -> memref<128xi32, #tpu.memory_space<vmem>>
      %dma_start3A_31 = arith.constant 0 : i32
      %dma_start3A_32 = arith.constant 0 : i32
      %dma_start3A_33 = tpu.memref_slice %arg12[%dma_start3A_31, %dma_start3A_32] : memref<20096x64xf32, #tpu.memory_space<vmem_shared>> -> memref<20096x64xf32, #tpu.memory_space<vmem_shared>>
      tpu.enqueue_indirect_dma source(%arg9 : memref<128x64xf32, #tpu.memory_space<vmem>>) target(%dma_start3A_33 : memref<20096x64xf32, #tpu.memory_space<vmem_shared>>) offsets(%dma_start3A_30 : memref<128xi32, #tpu.memory_space<vmem>>) semaphore(%run_scoped3A_27 : memref<!tpu.dma_semaphore, #tpu.memory_space<semaphore_mem>>) {add = true}
      %dma_wait3A_34 = arith.constant 0 : i32
      %dma_wait3A_35 = tpu.memref_slice %arg8[%run_scoped3A, %dma_wait3A_34] : memref<79x128xi32, #tpu.memory_space<vmem>> -> memref<1x128xi32, #tpu.memory_space<vmem>>
      %dma_wait3A_36 = tpu.memref_squeeze %dma_wait3A_35 : memref<1x128xi32, #tpu.memory_space<vmem>> -> memref<128xi32, #tpu.memory_space<vmem>>
      %dma_wait3A_37 = arith.constant 0 : i32
      %dma_wait3A_38 = arith.constant 0 : i32
      %dma_wait3A_39 = tpu.memref_slice %arg12[%dma_wait3A_37, %dma_wait3A_38] : memref<20096x64xf32, #tpu.memory_space<vmem_shared>> -> memref<20096x64xf32, #tpu.memory_space<vmem_shared>>
      tpu.wait_indirect_dma semaphore(%run_scoped3A_27 : memref<!tpu.dma_semaphore, #tpu.memory_space<semaphore_mem>>) src(%arg9 : memref<128x64xf32, #tpu.memory_space<vmem>>) dst(%dma_wait3A_39 : memref<20096x64xf32, #tpu.memory_space<vmem_shared>>)
      tpu.yield
    }) : () -> ()
    %barrier3A_26 = arith.constant 0 : index
    tpu.barrier barrier_id(%barrier3A_26)
    "tpu.region"() ({
      %run_scoped3A_27 = tpu.sem_alloc : memref<!tpu.dma_semaphore, #tpu.memory_space<semaphore_mem>>
      %dma_start3A_28 = arith.constant 0 : i32
      %dma_start3A_29 = tpu.memref_slice %arg6[%arg0, %mul3A_2, %dma_start3A_28] : memref<2x20096x64xf32, #tpu.memory_space<hbm>> -> memref<1x1256x64xf32, #tpu.memory_space<hbm>>
      %dma_start3A_30 = tpu.memref_squeeze %dma_start3A_29 : memref<1x1256x64xf32, #tpu.memory_space<hbm>> -> memref<1256x64xf32, #tpu.memory_space<hbm>>
      %dma_start3A_31 = arith.constant 0 : i32
      %dma_start3A_32 = tpu.memref_slice %arg12[%mul3A_2, %dma_start3A_31] : memref<20096x64xf32, #tpu.memory_space<vmem_shared>> -> memref<1256x64xf32, #tpu.memory_space<vmem_shared>>
      tpu.enqueue_dma source(%dma_start3A_32 : memref<1256x64xf32, #tpu.memory_space<vmem_shared>>) target(%dma_start3A_30 : memref<1256x64xf32, #tpu.memory_space<hbm>>) target_semaphore(%run_scoped3A_27 : memref<!tpu.dma_semaphore, #tpu.memory_space<semaphore_mem>>)
      %dma_wait3A_33 = arith.constant 0 : i32
      %dma_wait3A_34 = tpu.memref_slice %arg6[%arg0, %mul3A_2, %dma_wait3A_33] : memref<2x20096x64xf32, #tpu.memory_space<hbm>> -> memref<1x1256x64xf32, #tpu.memory_space<hbm>>
      %dma_wait3A_35 = tpu.memref_squeeze %dma_wait3A_34 : memref<1x1256x64xf32, #tpu.memory_space<hbm>> -> memref<1256x64xf32, #tpu.memory_space<hbm>>
      %dma_wait3A_36 = arith.constant 0 : i32
      %dma_wait3A_37 = tpu.memref_slice %arg12[%mul3A_2, %dma_wait3A_36] : memref<20096x64xf32, #tpu.memory_space<vmem_shared>> -> memref<1256x64xf32, #tpu.memory_space<vmem_shared>>
      tpu.wait_dma2 semaphore(%run_scoped3A_27 : memref<!tpu.dma_semaphore, #tpu.memory_space<semaphore_mem>>) src(%dma_wait3A_37 : memref<1256x64xf32, #tpu.memory_space<vmem_shared>>) dst(%dma_wait3A_35 : memref<1256x64xf32, #tpu.memory_space<hbm>>)
      tpu.yield
    }) : () -> ()
    return
  }
}

#map = affine_map<(d0, d1) -> (0, 0, 0)>
#map1 = affine_map<(d0, d1) -> (0, 0)>
module attributes {stable_mosaic.version = 14 : i64} {
  func.func @_sc_count_body(%arg0: i32, %arg1: i32, %arg2: memref<32x79x128xi32, #tpu.memory_space<hbm>>, %arg3: memref<128x16xf32, #tpu.memory_space<hbm>>, %arg4: memref<1256x16xf32, #tpu.memory_space<hbm>>, %arg5: memref<2x20096x16xf32, #tpu.memory_space<hbm>>, %arg6: memref<79x128xi32, #tpu.memory_space<vmem>>, %arg7: memref<128x16xf32, #tpu.memory_space<vmem>>, %arg8: memref<20096x16xf32, #tpu.memory_space<vmem_shared>>) attributes {dimension_semantics = [#tpu.dimension_semantics<core_parallel>, #tpu.dimension_semantics<subcore_parallel>], iteration_bounds = array<i64: 2, 16>, scalar_prefetch = 0 : i64, scratch_operands = 3 : i64, tpu.core_type = #tpu.core_type<sc_vector_subcore>, window_params = [{transform_indices = #map}, {transform_indices = #map1}, {transform_indices = #map1}, {transform_indices = #map}]} {
    %mul3A = arith.constant 16 : i32
    %mul3A_0 = arith.muli %arg0, %mul3A : i32
    %add3A = arith.addi %mul3A_0, %arg1 : i32
    "tpu.region"() ({
      %run_scoped3A = tpu.sem_alloc : memref<!tpu.dma_semaphore, #tpu.memory_space<semaphore_mem>>
      %dma_start3A = arith.constant 0 : i32
      %dma_start3A_9 = arith.constant 0 : i32
      %dma_start3A_10 = tpu.memref_slice %arg2[%add3A, %dma_start3A, %dma_start3A_9] : memref<32x79x128xi32, #tpu.memory_space<hbm>> -> memref<1x79x128xi32, #tpu.memory_space<hbm>>
      %dma_start3A_11 = tpu.memref_squeeze %dma_start3A_10 : memref<1x79x128xi32, #tpu.memory_space<hbm>> -> memref<79x128xi32, #tpu.memory_space<hbm>>
      %dma_start3A_12 = arith.constant 0 : i32
      %dma_start3A_13 = arith.constant 0 : i32
      %dma_start3A_14 = tpu.memref_slice %arg2[%add3A, %dma_start3A_12, %dma_start3A_13] : memref<32x79x128xi32, #tpu.memory_space<hbm>> -> memref<1x79x128xi32, #tpu.memory_space<hbm>>
      %dma_start3A_15 = tpu.memref_squeeze %dma_start3A_14 : memref<1x79x128xi32, #tpu.memory_space<hbm>> -> memref<79x128xi32, #tpu.memory_space<hbm>>
      tpu.enqueue_dma source(%dma_start3A_15 : memref<79x128xi32, #tpu.memory_space<hbm>>) target(%arg6 : memref<79x128xi32, #tpu.memory_space<vmem>>) target_semaphore(%run_scoped3A : memref<!tpu.dma_semaphore, #tpu.memory_space<semaphore_mem>>)
      %dma_wait3A = arith.constant 0 : i32
      %dma_wait3A_16 = arith.constant 0 : i32
      %dma_wait3A_17 = tpu.memref_slice %arg2[%add3A, %dma_wait3A, %dma_wait3A_16] : memref<32x79x128xi32, #tpu.memory_space<hbm>> -> memref<1x79x128xi32, #tpu.memory_space<hbm>>
      %dma_wait3A_18 = tpu.memref_squeeze %dma_wait3A_17 : memref<1x79x128xi32, #tpu.memory_space<hbm>> -> memref<79x128xi32, #tpu.memory_space<hbm>>
      %dma_wait3A_19 = arith.constant 0 : i32
      %dma_wait3A_20 = arith.constant 0 : i32
      %dma_wait3A_21 = tpu.memref_slice %arg2[%add3A, %dma_wait3A_19, %dma_wait3A_20] : memref<32x79x128xi32, #tpu.memory_space<hbm>> -> memref<1x79x128xi32, #tpu.memory_space<hbm>>
      %dma_wait3A_22 = tpu.memref_squeeze %dma_wait3A_21 : memref<1x79x128xi32, #tpu.memory_space<hbm>> -> memref<79x128xi32, #tpu.memory_space<hbm>>
      tpu.wait_dma2 semaphore(%run_scoped3A : memref<!tpu.dma_semaphore, #tpu.memory_space<semaphore_mem>>) src(%dma_wait3A_22 : memref<79x128xi32, #tpu.memory_space<hbm>>) dst(%arg6 : memref<79x128xi32, #tpu.memory_space<vmem>>)
      tpu.yield
    }) : () -> ()
    "tpu.region"() ({
      %run_scoped3A = tpu.sem_alloc : memref<!tpu.dma_semaphore, #tpu.memory_space<semaphore_mem>>
      tpu.enqueue_dma source(%arg3 : memref<128x16xf32, #tpu.memory_space<hbm>>) target(%arg7 : memref<128x16xf32, #tpu.memory_space<vmem>>) target_semaphore(%run_scoped3A : memref<!tpu.dma_semaphore, #tpu.memory_space<semaphore_mem>>)
      tpu.wait_dma2 semaphore(%run_scoped3A : memref<!tpu.dma_semaphore, #tpu.memory_space<semaphore_mem>>) src(%arg3 : memref<128x16xf32, #tpu.memory_space<hbm>>) dst(%arg7 : memref<128x16xf32, #tpu.memory_space<vmem>>)
      tpu.yield
    }) : () -> ()
    %mul3A_1 = arith.constant 1256 : i32
    %mul3A_2 = arith.muli %arg1, %mul3A_1 : i32
    "tpu.region"() ({
      %run_scoped3A = tpu.sem_alloc : memref<!tpu.dma_semaphore, #tpu.memory_space<semaphore_mem>>
      %dma_start3A = arith.constant 0 : i32
      %dma_start3A_9 = tpu.memref_slice %arg8[%mul3A_2, %dma_start3A] : memref<20096x16xf32, #tpu.memory_space<vmem_shared>> -> memref<1256x16xf32, #tpu.memory_space<vmem_shared>>
      tpu.enqueue_dma source(%arg4 : memref<1256x16xf32, #tpu.memory_space<hbm>>) target(%dma_start3A_9 : memref<1256x16xf32, #tpu.memory_space<vmem_shared>>) target_semaphore(%run_scoped3A : memref<!tpu.dma_semaphore, #tpu.memory_space<semaphore_mem>>)
      %dma_wait3A = arith.constant 0 : i32
      %dma_wait3A_10 = tpu.memref_slice %arg8[%mul3A_2, %dma_wait3A] : memref<20096x16xf32, #tpu.memory_space<vmem_shared>> -> memref<1256x16xf32, #tpu.memory_space<vmem_shared>>
      tpu.wait_dma2 semaphore(%run_scoped3A : memref<!tpu.dma_semaphore, #tpu.memory_space<semaphore_mem>>) src(%arg4 : memref<1256x16xf32, #tpu.memory_space<hbm>>) dst(%dma_wait3A_10 : memref<1256x16xf32, #tpu.memory_space<vmem_shared>>)
      tpu.yield
    }) : () -> ()
    %barrier3A = arith.constant 0 : index
    tpu.barrier barrier_id(%barrier3A)
    %scan3A = arith.constant 0 : i32
    %scan3A_3 = arith.constant 0 : i32
    %scan3A_4 = arith.constant 79 : i32
    %scan3A_5 = arith.addi %scan3A_3, %scan3A_4 : i32
    %scan3A_6 = arith.constant 1 : i32
    scf.for %scan3A_9 = %scan3A_3 to %scan3A_5 step %scan3A_6  : i32 {
      "tpu.region"() ({
        %run_scoped3A = tpu.sem_alloc : memref<!tpu.dma_semaphore, #tpu.memory_space<semaphore_mem>>
        %dma_start3A = arith.constant 0 : i32
        %dma_start3A_10 = tpu.memref_slice %arg6[%scan3A_9, %dma_start3A] : memref<79x128xi32, #tpu.memory_space<vmem>> -> memref<1x128xi32, #tpu.memory_space<vmem>>
        %dma_start3A_11 = tpu.memref_squeeze %dma_start3A_10 : memref<1x128xi32, #tpu.memory_space<vmem>> -> memref<128xi32, #tpu.memory_space<vmem>>
        %dma_start3A_12 = arith.constant 0 : i32
        %dma_start3A_13 = arith.constant 0 : i32
        %dma_start3A_14 = tpu.memref_slice %arg8[%dma_start3A_12, %dma_start3A_13] : memref<20096x16xf32, #tpu.memory_space<vmem_shared>> -> memref<20096x16xf32, #tpu.memory_space<vmem_shared>>
        tpu.enqueue_indirect_dma source(%arg7 : memref<128x16xf32, #tpu.memory_space<vmem>>) target(%dma_start3A_14 : memref<20096x16xf32, #tpu.memory_space<vmem_shared>>) offsets(%dma_start3A_11 : memref<128xi32, #tpu.memory_space<vmem>>) semaphore(%run_scoped3A : memref<!tpu.dma_semaphore, #tpu.memory_space<semaphore_mem>>) {add = true}
        %dma_wait3A = arith.constant 0 : i32
        %dma_wait3A_15 = tpu.memref_slice %arg6[%scan3A_9, %dma_wait3A] : memref<79x128xi32, #tpu.memory_space<vmem>> -> memref<1x128xi32, #tpu.memory_space<vmem>>
        %dma_wait3A_16 = tpu.memref_squeeze %dma_wait3A_15 : memref<1x128xi32, #tpu.memory_space<vmem>> -> memref<128xi32, #tpu.memory_space<vmem>>
        %dma_wait3A_17 = arith.constant 0 : i32
        %dma_wait3A_18 = arith.constant 0 : i32
        %dma_wait3A_19 = tpu.memref_slice %arg8[%dma_wait3A_17, %dma_wait3A_18] : memref<20096x16xf32, #tpu.memory_space<vmem_shared>> -> memref<20096x16xf32, #tpu.memory_space<vmem_shared>>
        tpu.wait_indirect_dma semaphore(%run_scoped3A : memref<!tpu.dma_semaphore, #tpu.memory_space<semaphore_mem>>) src(%arg7 : memref<128x16xf32, #tpu.memory_space<vmem>>) dst(%dma_wait3A_19 : memref<20096x16xf32, #tpu.memory_space<vmem_shared>>)
        tpu.yield
      }) : () -> ()
    }
    %scan3A_7 = arith.constant 79 : i32
    %barrier3A_8 = arith.constant 0 : index
    tpu.barrier barrier_id(%barrier3A_8)
    "tpu.region"() ({
      %run_scoped3A = tpu.sem_alloc : memref<!tpu.dma_semaphore, #tpu.memory_space<semaphore_mem>>
      %dma_start3A = arith.constant 0 : i32
      %dma_start3A_9 = tpu.memref_slice %arg5[%arg0, %mul3A_2, %dma_start3A] : memref<2x20096x16xf32, #tpu.memory_space<hbm>> -> memref<1x1256x16xf32, #tpu.memory_space<hbm>>
      %dma_start3A_10 = tpu.memref_squeeze %dma_start3A_9 : memref<1x1256x16xf32, #tpu.memory_space<hbm>> -> memref<1256x16xf32, #tpu.memory_space<hbm>>
      %dma_start3A_11 = arith.constant 0 : i32
      %dma_start3A_12 = tpu.memref_slice %arg8[%mul3A_2, %dma_start3A_11] : memref<20096x16xf32, #tpu.memory_space<vmem_shared>> -> memref<1256x16xf32, #tpu.memory_space<vmem_shared>>
      tpu.enqueue_dma source(%dma_start3A_12 : memref<1256x16xf32, #tpu.memory_space<vmem_shared>>) target(%dma_start3A_10 : memref<1256x16xf32, #tpu.memory_space<hbm>>) target_semaphore(%run_scoped3A : memref<!tpu.dma_semaphore, #tpu.memory_space<semaphore_mem>>)
      %dma_wait3A = arith.constant 0 : i32
      %dma_wait3A_13 = tpu.memref_slice %arg5[%arg0, %mul3A_2, %dma_wait3A] : memref<2x20096x16xf32, #tpu.memory_space<hbm>> -> memref<1x1256x16xf32, #tpu.memory_space<hbm>>
      %dma_wait3A_14 = tpu.memref_squeeze %dma_wait3A_13 : memref<1x1256x16xf32, #tpu.memory_space<hbm>> -> memref<1256x16xf32, #tpu.memory_space<hbm>>
      %dma_wait3A_15 = arith.constant 0 : i32
      %dma_wait3A_16 = tpu.memref_slice %arg8[%mul3A_2, %dma_wait3A_15] : memref<20096x16xf32, #tpu.memory_space<vmem_shared>> -> memref<1256x16xf32, #tpu.memory_space<vmem_shared>>
      tpu.wait_dma2 semaphore(%run_scoped3A : memref<!tpu.dma_semaphore, #tpu.memory_space<semaphore_mem>>) src(%dma_wait3A_16 : memref<1256x16xf32, #tpu.memory_space<vmem_shared>>) dst(%dma_wait3A_14 : memref<1256x16xf32, #tpu.memory_space<hbm>>)
      tpu.yield
    }) : () -> ()
    return
  }
}

module attributes {stable_mosaic.version = 14 : i64} {
  func.func @_tc_enc_body(%arg0: i32, %arg1: memref<1000x128xf32, #tpu.memory_space<vmem>>, %arg2: memref<1x128x64xf32, #tpu.memory_space<vmem>>, %arg3: memref<1x1x64xf32, #tpu.memory_space<vmem>>, %arg4: memref<3x3xf32, #tpu.memory_space<vmem>>, %arg5: memref<3x64x64xf32, #tpu.memory_space<vmem>>, %arg6: memref<64x64xf32, #tpu.memory_space<vmem>>, %arg7: memref<3x1000x64xf32, #tpu.memory_space<vmem>>, %arg8: memref<1000x64xf32, #tpu.memory_space<vmem>>) attributes {dimension_semantics = [#tpu.dimension_semantics<arbitrary>], iteration_bounds = array<i64: 8>, scalar_prefetch = 0 : i64, scratch_operands = 0 : i64, tpu.core_type = #tpu.core_type<tc>, window_params = [{transform_indices = @transform_0, window_bounds = array<i64: 1000, 128>}, {pipeline_mode = #tpu.pipeline_mode<synchronous>, transform_indices = @transform_1, window_bounds = array<i64: 1, 128, 64>}, {pipeline_mode = #tpu.pipeline_mode<synchronous>, transform_indices = @transform_2, window_bounds = array<i64: 1, 1, 64>}, {pipeline_mode = #tpu.pipeline_mode<synchronous>, transform_indices = @transform_3, window_bounds = array<i64: 3, 3>}, {pipeline_mode = #tpu.pipeline_mode<synchronous>, transform_indices = @transform_4, window_bounds = array<i64: 3, 64, 64>}, {pipeline_mode = #tpu.pipeline_mode<synchronous>, transform_indices = @transform_5, window_bounds = array<i64: 64, 64>}, {transform_indices = @transform_6, window_bounds = array<i64: 3, 1000, 64>}, {transform_indices = @transform_7, window_bounds = array<i64: 1000, 64>}]} {
    %get3A = arith.constant 0 : index
    %get3A_0 = arith.constant 0 : index
    %get3A_1 = vector.load %arg1[%get3A, %get3A_0] : memref<1000x128xf32, #tpu.memory_space<vmem>>, vector<1000x128xf32>
    %get3A_2 = arith.constant 0 : index
    %get3A_3 = arith.constant 0 : index
    %get3A_4 = arith.constant 0 : index
    %get3A_5 = vector.load %arg2[%get3A_2, %get3A_3, %get3A_4] : memref<1x128x64xf32, #tpu.memory_space<vmem>>, vector<1x128x64xf32>
    %get3A_6 = vector.shape_cast %get3A_5 : vector<1x128x64xf32> to vector<128x64xf32>
    %dot_general3A = arith.constant dense<0.000000e+00> : vector<1000x64xf32>
    %dot_general3A_7 = tpu.matmul %get3A_1, %get3A_6, %dot_general3A {dimension_numbers = #tpu.dot_dimension_numbers<[1], [0], [0], [1], [0, 0, 1, 1], [], []>, transpose_lhs_hint = false} : vector<1000x128xf32>, vector<128x64xf32>, vector<1000x64xf32> -> vector<1000x64xf32>
    %get3A_8 = arith.constant 0 : index
    %get3A_9 = arith.constant 0 : index
    %get3A_10 = arith.constant 0 : index
    %get3A_11 = vector.load %arg3[%get3A_8, %get3A_9, %get3A_10] : memref<1x1x64xf32, #tpu.memory_space<vmem>>, vector<1x1x64xf32>
    %get3A_12 = vector.shape_cast %get3A_11 : vector<1x1x64xf32> to vector<1x64xf32>
    %add3A = vector.broadcast %get3A_12 : vector<1x64xf32> to vector<1000x64xf32>
    %add3A_13 = arith.addf %dot_general3A_7, %add3A : vector<1000x64xf32>
    %max3A = arith.constant 0.000000e+00 : f32
    %max3A_14 = vector.broadcast %max3A : f32 to vector<1000x64xf32>
    %max3A_15 = arith.maximumf %add3A_13, %max3A_14 : vector<1000x64xf32>
    %get3A_16 = arith.constant 0 : index
    %get3A_17 = arith.constant 0 : index
    %get3A_18 = vector.load %arg4[%get3A_16, %get3A_17] : memref<3x3xf32, #tpu.memory_space<vmem>>, vector<3x3xf32>
    %get3A_19 = arith.constant 0 : index
    %get3A_20 = arith.constant 0 : index
    %get3A_21 = arith.constant 0 : index
    %get3A_22 = vector.load %arg5[%get3A_19, %get3A_20, %get3A_21] : memref<3x64x64xf32, #tpu.memory_space<vmem>>, vector<3x64x64xf32>
    %dot_general3A_23 = arith.constant dense<0.000000e+00> : vector<3x64x64xf32>
    %dot_general3A_24 = tpu.matmul %get3A_18, %get3A_22, %dot_general3A_23 {dimension_numbers = #tpu.dot_dimension_numbers<[1], [0], [0], [1, 2], [0, 0, 1, 1, 1, 2], [], []>, transpose_lhs_hint = false} : vector<3x3xf32>, vector<3x64x64xf32>, vector<3x64x64xf32> -> vector<3x64x64xf32>
    %slice3A = vector.extract_strided_slice %dot_general3A_24 {offsets = [0, 0, 0], sizes = [1, 64, 64], strides = [1, 1, 1]} : vector<3x64x64xf32> to vector<1x64x64xf32>
    %squeeze3A = vector.shape_cast %slice3A : vector<1x64x64xf32> to vector<64x64xf32>
    %slice3A_25 = vector.extract_strided_slice %dot_general3A_24 {offsets = [1, 0, 0], sizes = [1, 64, 64], strides = [1, 1, 1]} : vector<3x64x64xf32> to vector<1x64x64xf32>
    %squeeze3A_26 = vector.shape_cast %slice3A_25 : vector<1x64x64xf32> to vector<64x64xf32>
    %slice3A_27 = vector.extract_strided_slice %dot_general3A_24 {offsets = [2, 0, 0], sizes = [1, 64, 64], strides = [1, 1, 1]} : vector<3x64x64xf32> to vector<1x64x64xf32>
    %squeeze3A_28 = vector.shape_cast %slice3A_27 : vector<1x64x64xf32> to vector<64x64xf32>
    %dot_general3A_29 = arith.constant dense<0.000000e+00> : vector<1000x64xf32>
    %dot_general3A_30 = tpu.matmul %max3A_15, %squeeze3A, %dot_general3A_29 {dimension_numbers = #tpu.dot_dimension_numbers<[1], [0], [0], [1], [0, 0, 1, 1], [], []>, transpose_lhs_hint = false} : vector<1000x64xf32>, vector<64x64xf32>, vector<1000x64xf32> -> vector<1000x64xf32>
    %swap3A = arith.constant 0 : index
    %swap3A_31 = arith.constant 0 : index
    %swap3A_32 = arith.constant 0 : index
    %swap3A_33 = vector.load %arg7[%swap3A, %swap3A_31, %swap3A_32] : memref<3x1000x64xf32, #tpu.memory_space<vmem>>, vector<1x1000x64xf32>
    %swap3A_34 = vector.shape_cast %swap3A_33 : vector<1x1000x64xf32> to vector<1000x64xf32>
    %swap3A_35 = vector.shape_cast %dot_general3A_30 : vector<1000x64xf32> to vector<1x1000x64xf32>
    tpu.vector_store %arg7[%swap3A, %swap3A_31, %swap3A_32], %swap3A_35 {strides = array<i32>} : memref<3x1000x64xf32, #tpu.memory_space<vmem>>, vector<1x1000x64xf32>,
    %dot_general3A_36 = arith.constant dense<0.000000e+00> : vector<1000x64xf32>
    %dot_general3A_37 = tpu.matmul %max3A_15, %squeeze3A_26, %dot_general3A_36 {dimension_numbers = #tpu.dot_dimension_numbers<[1], [0], [0], [1], [0, 0, 1, 1], [], []>, transpose_lhs_hint = false} : vector<1000x64xf32>, vector<64x64xf32>, vector<1000x64xf32> -> vector<1000x64xf32>
    %swap3A_38 = arith.constant 1 : index
    %swap3A_39 = arith.constant 0 : index
    %swap3A_40 = arith.constant 0 : index
    %swap3A_41 = vector.load %arg7[%swap3A_38, %swap3A_39, %swap3A_40] : memref<3x1000x64xf32, #tpu.memory_space<vmem>>, vector<1x1000x64xf32>
    %swap3A_42 = vector.shape_cast %swap3A_41 : vector<1x1000x64xf32> to vector<1000x64xf32>
    %swap3A_43 = vector.shape_cast %dot_general3A_37 : vector<1000x64xf32> to vector<1x1000x64xf32>
    tpu.vector_store %arg7[%swap3A_38, %swap3A_39, %swap3A_40], %swap3A_43 {strides = array<i32>} : memref<3x1000x64xf32, #tpu.memory_space<vmem>>, vector<1x1000x64xf32>,
    %dot_general3A_44 = arith.constant dense<0.000000e+00> : vector<1000x64xf32>
    %dot_general3A_45 = tpu.matmul %max3A_15, %squeeze3A_28, %dot_general3A_44 {dimension_numbers = #tpu.dot_dimension_numbers<[1], [0], [0], [1], [0, 0, 1, 1], [], []>, transpose_lhs_hint = false} : vector<1000x64xf32>, vector<64x64xf32>, vector<1000x64xf32> -> vector<1000x64xf32>
    %swap3A_46 = arith.constant 2 : index
    %swap3A_47 = arith.constant 0 : index
    %swap3A_48 = arith.constant 0 : index
    %swap3A_49 = vector.load %arg7[%swap3A_46, %swap3A_47, %swap3A_48] : memref<3x1000x64xf32, #tpu.memory_space<vmem>>, vector<1x1000x64xf32>
    %swap3A_50 = vector.shape_cast %swap3A_49 : vector<1x1000x64xf32> to vector<1000x64xf32>
    %swap3A_51 = vector.shape_cast %dot_general3A_45 : vector<1000x64xf32> to vector<1x1000x64xf32>
    tpu.vector_store %arg7[%swap3A_46, %swap3A_47, %swap3A_48], %swap3A_51 {strides = array<i32>} : memref<3x1000x64xf32, #tpu.memory_space<vmem>>, vector<1x1000x64xf32>,
    %get3A_52 = arith.constant 0 : index
    %get3A_53 = arith.constant 0 : index
    %get3A_54 = vector.load %arg6[%get3A_52, %get3A_53] : memref<64x64xf32, #tpu.memory_space<vmem>>, vector<64x64xf32>
    %dot_general3A_55 = arith.constant dense<0.000000e+00> : vector<1000x64xf32>
    %dot_general3A_56 = tpu.matmul %max3A_15, %get3A_54, %dot_general3A_55 {dimension_numbers = #tpu.dot_dimension_numbers<[1], [0], [0], [1], [0, 0, 1, 1], [], []>, transpose_lhs_hint = false} : vector<1000x64xf32>, vector<64x64xf32>, vector<1000x64xf32> -> vector<1000x64xf32>
    %swap3A_57 = arith.constant 0 : index
    %swap3A_58 = arith.constant 0 : index
    %swap3A_59 = vector.load %arg8[%swap3A_57, %swap3A_58] : memref<1000x64xf32, #tpu.memory_space<vmem>>, vector<1000x64xf32>
    tpu.vector_store %arg8[%swap3A_57, %swap3A_58], %dot_general3A_56 {strides = array<i32>} : memref<1000x64xf32, #tpu.memory_space<vmem>>, vector<1000x64xf32>,
    return
  }
  func.func @transform_0(%arg0: i32) -> (i32, i32) {
    %c0_i32 = arith.constant 0 : i32
    %c0_i32_0 = arith.constant 0 : i32
    return %arg0, %c0_i32 : i32, i32
  }
  func.func @transform_1(%arg0: i32) -> (i32, i32, i32) {
    %c0_i32 = arith.constant 0 : i32
    %c0_i32_0 = arith.constant 0 : i32
    %c0_i32_1 = arith.constant 0 : i32
    %c0_i32_2 = arith.constant 0 : i32
    return %c0_i32, %c0_i32_0, %c0_i32_1 : i32, i32, i32
  }
  func.func @transform_2(%arg0: i32) -> (i32, i32, i32) {
    %c0_i32 = arith.constant 0 : i32
    %c0_i32_0 = arith.constant 0 : i32
    %c0_i32_1 = arith.constant 0 : i32
    %c0_i32_2 = arith.constant 0 : i32
    return %c0_i32, %c0_i32_0, %c0_i32_1 : i32, i32, i32
  }
  func.func @transform_3(%arg0: i32) -> (i32, i32) {
    %c0_i32 = arith.constant 0 : i32
    %c0_i32_0 = arith.constant 0 : i32
    %c0_i32_1 = arith.constant 0 : i32
    return %c0_i32, %c0_i32_0 : i32, i32
  }
  func.func @transform_4(%arg0: i32) -> (i32, i32, i32) {
    %c0_i32 = arith.constant 0 : i32
    %c0_i32_0 = arith.constant 0 : i32
    %c0_i32_1 = arith.constant 0 : i32
    %c0_i32_2 = arith.constant 0 : i32
    return %c0_i32, %c0_i32_0, %c0_i32_1 : i32, i32, i32
  }
  func.func @transform_5(%arg0: i32) -> (i32, i32) {
    %c0_i32 = arith.constant 0 : i32
    %c0_i32_0 = arith.constant 0 : i32
    %c0_i32_1 = arith.constant 0 : i32
    return %c0_i32, %c0_i32_0 : i32, i32
  }
  func.func @transform_6(%arg0: i32) -> (i32, i32, i32) {
    %c0_i32 = arith.constant 0 : i32
    %c0_i32_0 = arith.constant 0 : i32
    %c0_i32_1 = arith.constant 0 : i32
    return %c0_i32, %arg0, %c0_i32_0 : i32, i32, i32
  }
  func.func @transform_7(%arg0: i32) -> (i32, i32) {
    %c0_i32 = arith.constant 0 : i32
    %c0_i32_0 = arith.constant 0 : i32
    return %arg0, %c0_i32 : i32, i32
  }
}

module attributes {stable_mosaic.version = 14 : i64} {
  func.func @_tc_enc_body(%arg0: i32, %arg1: memref<1000x128xf32, #tpu.memory_space<vmem>>, %arg2: memref<1x128x64xf32, #tpu.memory_space<vmem>>, %arg3: memref<1x1x64xf32, #tpu.memory_space<vmem>>, %arg4: memref<3x3xf32, #tpu.memory_space<vmem>>, %arg5: memref<3x64x64xf32, #tpu.memory_space<vmem>>, %arg6: memref<64x64xf32, #tpu.memory_space<vmem>>, %arg7: memref<3x1000x64xf32, #tpu.memory_space<vmem>>, %arg8: memref<1000x64xf32, #tpu.memory_space<vmem>>) attributes {dimension_semantics = [#tpu.dimension_semantics<arbitrary>], iteration_bounds = array<i64: 2>, scalar_prefetch = 0 : i64, scratch_operands = 0 : i64, tpu.core_type = #tpu.core_type<tc>, window_params = [{transform_indices = @transform_0, window_bounds = array<i64: 1000, 128>}, {pipeline_mode = #tpu.pipeline_mode<synchronous>, transform_indices = @transform_1, window_bounds = array<i64: 1, 128, 64>}, {pipeline_mode = #tpu.pipeline_mode<synchronous>, transform_indices = @transform_2, window_bounds = array<i64: 1, 1, 64>}, {pipeline_mode = #tpu.pipeline_mode<synchronous>, transform_indices = @transform_3, window_bounds = array<i64: 3, 3>}, {pipeline_mode = #tpu.pipeline_mode<synchronous>, transform_indices = @transform_4, window_bounds = array<i64: 3, 64, 64>}, {pipeline_mode = #tpu.pipeline_mode<synchronous>, transform_indices = @transform_5, window_bounds = array<i64: 64, 64>}, {transform_indices = @transform_6, window_bounds = array<i64: 3, 1000, 64>}, {transform_indices = @transform_7, window_bounds = array<i64: 1000, 64>}]} {
    %get3A = arith.constant 0 : index
    %get3A_0 = arith.constant 0 : index
    %get3A_1 = vector.load %arg1[%get3A, %get3A_0] : memref<1000x128xf32, #tpu.memory_space<vmem>>, vector<1000x128xf32>
    %get3A_2 = arith.constant 0 : index
    %get3A_3 = arith.constant 0 : index
    %get3A_4 = arith.constant 0 : index
    %get3A_5 = vector.load %arg2[%get3A_2, %get3A_3, %get3A_4] : memref<1x128x64xf32, #tpu.memory_space<vmem>>, vector<1x128x64xf32>
    %get3A_6 = vector.shape_cast %get3A_5 : vector<1x128x64xf32> to vector<128x64xf32>
    %dot_general3A = arith.constant dense<0.000000e+00> : vector<1000x64xf32>
    %dot_general3A_7 = tpu.matmul %get3A_1, %get3A_6, %dot_general3A {dimension_numbers = #tpu.dot_dimension_numbers<[1], [0], [0], [1], [0, 0, 1, 1], [], []>, transpose_lhs_hint = false} : vector<1000x128xf32>, vector<128x64xf32>, vector<1000x64xf32> -> vector<1000x64xf32>
    %get3A_8 = arith.constant 0 : index
    %get3A_9 = arith.constant 0 : index
    %get3A_10 = arith.constant 0 : index
    %get3A_11 = vector.load %arg3[%get3A_8, %get3A_9, %get3A_10] : memref<1x1x64xf32, #tpu.memory_space<vmem>>, vector<1x1x64xf32>
    %get3A_12 = vector.shape_cast %get3A_11 : vector<1x1x64xf32> to vector<1x64xf32>
    %add3A = vector.broadcast %get3A_12 : vector<1x64xf32> to vector<1000x64xf32>
    %add3A_13 = arith.addf %dot_general3A_7, %add3A : vector<1000x64xf32>
    %max3A = arith.constant 0.000000e+00 : f32
    %max3A_14 = vector.broadcast %max3A : f32 to vector<1000x64xf32>
    %max3A_15 = arith.maximumf %add3A_13, %max3A_14 : vector<1000x64xf32>
    %get3A_16 = arith.constant 0 : index
    %get3A_17 = arith.constant 0 : index
    %get3A_18 = vector.load %arg4[%get3A_16, %get3A_17] : memref<3x3xf32, #tpu.memory_space<vmem>>, vector<3x3xf32>
    %get3A_19 = arith.constant 0 : index
    %get3A_20 = arith.constant 0 : index
    %get3A_21 = arith.constant 0 : index
    %get3A_22 = vector.load %arg5[%get3A_19, %get3A_20, %get3A_21] : memref<3x64x64xf32, #tpu.memory_space<vmem>>, vector<3x64x64xf32>
    %dot_general3A_23 = arith.constant dense<0.000000e+00> : vector<3x64x64xf32>
    %dot_general3A_24 = tpu.matmul %get3A_18, %get3A_22, %dot_general3A_23 {dimension_numbers = #tpu.dot_dimension_numbers<[1], [0], [0], [1, 2], [0, 0, 1, 1, 1, 2], [], []>, transpose_lhs_hint = false} : vector<3x3xf32>, vector<3x64x64xf32>, vector<3x64x64xf32> -> vector<3x64x64xf32>
    %slice3A = vector.extract_strided_slice %dot_general3A_24 {offsets = [0, 0, 0], sizes = [1, 64, 64], strides = [1, 1, 1]} : vector<3x64x64xf32> to vector<1x64x64xf32>
    %squeeze3A = vector.shape_cast %slice3A : vector<1x64x64xf32> to vector<64x64xf32>
    %slice3A_25 = vector.extract_strided_slice %dot_general3A_24 {offsets = [1, 0, 0], sizes = [1, 64, 64], strides = [1, 1, 1]} : vector<3x64x64xf32> to vector<1x64x64xf32>
    %squeeze3A_26 = vector.shape_cast %slice3A_25 : vector<1x64x64xf32> to vector<64x64xf32>
    %slice3A_27 = vector.extract_strided_slice %dot_general3A_24 {offsets = [2, 0, 0], sizes = [1, 64, 64], strides = [1, 1, 1]} : vector<3x64x64xf32> to vector<1x64x64xf32>
    %squeeze3A_28 = vector.shape_cast %slice3A_27 : vector<1x64x64xf32> to vector<64x64xf32>
    %dot_general3A_29 = arith.constant dense<0.000000e+00> : vector<1000x64xf32>
    %dot_general3A_30 = tpu.matmul %max3A_15, %squeeze3A, %dot_general3A_29 {dimension_numbers = #tpu.dot_dimension_numbers<[1], [0], [0], [1], [0, 0, 1, 1], [], []>, transpose_lhs_hint = false} : vector<1000x64xf32>, vector<64x64xf32>, vector<1000x64xf32> -> vector<1000x64xf32>
    %swap3A = arith.constant 0 : index
    %swap3A_31 = arith.constant 0 : index
    %swap3A_32 = arith.constant 0 : index
    %swap3A_33 = vector.load %arg7[%swap3A, %swap3A_31, %swap3A_32] : memref<3x1000x64xf32, #tpu.memory_space<vmem>>, vector<1x1000x64xf32>
    %swap3A_34 = vector.shape_cast %swap3A_33 : vector<1x1000x64xf32> to vector<1000x64xf32>
    %swap3A_35 = vector.shape_cast %dot_general3A_30 : vector<1000x64xf32> to vector<1x1000x64xf32>
    tpu.vector_store %arg7[%swap3A, %swap3A_31, %swap3A_32], %swap3A_35 {strides = array<i32>} : memref<3x1000x64xf32, #tpu.memory_space<vmem>>, vector<1x1000x64xf32>,
    %dot_general3A_36 = arith.constant dense<0.000000e+00> : vector<1000x64xf32>
    %dot_general3A_37 = tpu.matmul %max3A_15, %squeeze3A_26, %dot_general3A_36 {dimension_numbers = #tpu.dot_dimension_numbers<[1], [0], [0], [1], [0, 0, 1, 1], [], []>, transpose_lhs_hint = false} : vector<1000x64xf32>, vector<64x64xf32>, vector<1000x64xf32> -> vector<1000x64xf32>
    %swap3A_38 = arith.constant 1 : index
    %swap3A_39 = arith.constant 0 : index
    %swap3A_40 = arith.constant 0 : index
    %swap3A_41 = vector.load %arg7[%swap3A_38, %swap3A_39, %swap3A_40] : memref<3x1000x64xf32, #tpu.memory_space<vmem>>, vector<1x1000x64xf32>
    %swap3A_42 = vector.shape_cast %swap3A_41 : vector<1x1000x64xf32> to vector<1000x64xf32>
    %swap3A_43 = vector.shape_cast %dot_general3A_37 : vector<1000x64xf32> to vector<1x1000x64xf32>
    tpu.vector_store %arg7[%swap3A_38, %swap3A_39, %swap3A_40], %swap3A_43 {strides = array<i32>} : memref<3x1000x64xf32, #tpu.memory_space<vmem>>, vector<1x1000x64xf32>,
    %dot_general3A_44 = arith.constant dense<0.000000e+00> : vector<1000x64xf32>
    %dot_general3A_45 = tpu.matmul %max3A_15, %squeeze3A_28, %dot_general3A_44 {dimension_numbers = #tpu.dot_dimension_numbers<[1], [0], [0], [1], [0, 0, 1, 1], [], []>, transpose_lhs_hint = false} : vector<1000x64xf32>, vector<64x64xf32>, vector<1000x64xf32> -> vector<1000x64xf32>
    %swap3A_46 = arith.constant 2 : index
    %swap3A_47 = arith.constant 0 : index
    %swap3A_48 = arith.constant 0 : index
    %swap3A_49 = vector.load %arg7[%swap3A_46, %swap3A_47, %swap3A_48] : memref<3x1000x64xf32, #tpu.memory_space<vmem>>, vector<1x1000x64xf32>
    %swap3A_50 = vector.shape_cast %swap3A_49 : vector<1x1000x64xf32> to vector<1000x64xf32>
    %swap3A_51 = vector.shape_cast %dot_general3A_45 : vector<1000x64xf32> to vector<1x1000x64xf32>
    tpu.vector_store %arg7[%swap3A_46, %swap3A_47, %swap3A_48], %swap3A_51 {strides = array<i32>} : memref<3x1000x64xf32, #tpu.memory_space<vmem>>, vector<1x1000x64xf32>,
    %get3A_52 = arith.constant 0 : index
    %get3A_53 = arith.constant 0 : index
    %get3A_54 = vector.load %arg6[%get3A_52, %get3A_53] : memref<64x64xf32, #tpu.memory_space<vmem>>, vector<64x64xf32>
    %dot_general3A_55 = arith.constant dense<0.000000e+00> : vector<1000x64xf32>
    %dot_general3A_56 = tpu.matmul %max3A_15, %get3A_54, %dot_general3A_55 {dimension_numbers = #tpu.dot_dimension_numbers<[1], [0], [0], [1], [0, 0, 1, 1], [], []>, transpose_lhs_hint = false} : vector<1000x64xf32>, vector<64x64xf32>, vector<1000x64xf32> -> vector<1000x64xf32>
    %swap3A_57 = arith.constant 0 : index
    %swap3A_58 = arith.constant 0 : index
    %swap3A_59 = vector.load %arg8[%swap3A_57, %swap3A_58] : memref<1000x64xf32, #tpu.memory_space<vmem>>, vector<1000x64xf32>
    tpu.vector_store %arg8[%swap3A_57, %swap3A_58], %dot_general3A_56 {strides = array<i32>} : memref<1000x64xf32, #tpu.memory_space<vmem>>, vector<1000x64xf32>,
    return
  }
  func.func @transform_0(%arg0: i32) -> (i32, i32) {
    %c0_i32 = arith.constant 0 : i32
    %c0_i32_0 = arith.constant 0 : i32
    return %arg0, %c0_i32 : i32, i32
  }
  func.func @transform_1(%arg0: i32) -> (i32, i32, i32) {
    %c0_i32 = arith.constant 0 : i32
    %c0_i32_0 = arith.constant 0 : i32
    %c0_i32_1 = arith.constant 0 : i32
    %c0_i32_2 = arith.constant 0 : i32
    return %c0_i32, %c0_i32_0, %c0_i32_1 : i32, i32, i32
  }
  func.func @transform_2(%arg0: i32) -> (i32, i32, i32) {
    %c0_i32 = arith.constant 0 : i32
    %c0_i32_0 = arith.constant 0 : i32
    %c0_i32_1 = arith.constant 0 : i32
    %c0_i32_2 = arith.constant 0 : i32
    return %c0_i32, %c0_i32_0, %c0_i32_1 : i32, i32, i32
  }
  func.func @transform_3(%arg0: i32) -> (i32, i32) {
    %c0_i32 = arith.constant 0 : i32
    %c0_i32_0 = arith.constant 0 : i32
    %c0_i32_1 = arith.constant 0 : i32
    return %c0_i32, %c0_i32_0 : i32, i32
  }
  func.func @transform_4(%arg0: i32) -> (i32, i32, i32) {
    %c0_i32 = arith.constant 0 : i32
    %c0_i32_0 = arith.constant 0 : i32
    %c0_i32_1 = arith.constant 0 : i32
    %c0_i32_2 = arith.constant 0 : i32
    return %c0_i32, %c0_i32_0, %c0_i32_1 : i32, i32, i32
  }
  func.func @transform_5(%arg0: i32) -> (i32, i32) {
    %c0_i32 = arith.constant 0 : i32
    %c0_i32_0 = arith.constant 0 : i32
    %c0_i32_1 = arith.constant 0 : i32
    return %c0_i32, %c0_i32_0 : i32, i32
  }
  func.func @transform_6(%arg0: i32) -> (i32, i32, i32) {
    %c0_i32 = arith.constant 0 : i32
    %c0_i32_0 = arith.constant 0 : i32
    %c0_i32_1 = arith.constant 0 : i32
    return %c0_i32, %arg0, %c0_i32_0 : i32, i32, i32
  }
  func.func @transform_7(%arg0: i32) -> (i32, i32) {
    %c0_i32 = arith.constant 0 : i32
    %c0_i32_0 = arith.constant 0 : i32
    return %arg0, %c0_i32 : i32, i32
  }
}

module attributes {stable_mosaic.version = 14 : i64} {
  func.func @_tc_epi_mid_body(%arg0: i32, %arg1: memref<2x2x1000x64xf32, #tpu.memory_space<vmem>>, %arg2: memref<2x2x1000x16xf32, #tpu.memory_space<vmem>>, %arg3: memref<1000x64xf32, #tpu.memory_space<vmem>>, %arg4: memref<1x64xf32, #tpu.memory_space<vmem>>, %arg5: memref<3x3xf32, #tpu.memory_space<vmem>>, %arg6: memref<3x64x64xf32, #tpu.memory_space<vmem>>, %arg7: memref<64x64xf32, #tpu.memory_space<vmem>>, %arg8: memref<3x1000x64xf32, #tpu.memory_space<vmem>>, %arg9: memref<1000x64xf32, #tpu.memory_space<vmem>>) attributes {dimension_semantics = [#tpu.dimension_semantics<arbitrary>], iteration_bounds = array<i64: 10>, scalar_prefetch = 0 : i64, scratch_operands = 0 : i64, tpu.core_type = #tpu.core_type<tc>, window_params = [{transform_indices = @transform_0, window_bounds = array<i64: 2, 2, 1000, 64>}, {transform_indices = @transform_1, window_bounds = array<i64: 2, 2, 1000, 16>}, {transform_indices = @transform_2, window_bounds = array<i64: 1000, 64>}, {pipeline_mode = #tpu.pipeline_mode<synchronous>, transform_indices = @transform_3, window_bounds = array<i64: 1, 64>}, {pipeline_mode = #tpu.pipeline_mode<synchronous>, transform_indices = @transform_4, window_bounds = array<i64: 3, 3>}, {pipeline_mode = #tpu.pipeline_mode<synchronous>, transform_indices = @transform_5, window_bounds = array<i64: 3, 64, 64>}, {pipeline_mode = #tpu.pipeline_mode<synchronous>, transform_indices = @transform_6, window_bounds = array<i64: 64, 64>}, {transform_indices = @transform_7, window_bounds = array<i64: 3, 1000, 64>}, {transform_indices = @transform_8, window_bounds = array<i64: 1000, 64>}]} {
    %get3A = arith.constant 0 : index
    %get3A_0 = arith.constant 0 : index
    %get3A_1 = vector.load %arg3[%get3A, %get3A_0] : memref<1000x64xf32, #tpu.memory_space<vmem>>, vector<1000x64xf32>
    %get3A_2 = arith.constant 0 : index
    %get3A_3 = arith.constant 0 : index
    %get3A_4 = vector.load %arg4[%get3A_2, %get3A_3] : memref<1x64xf32, #tpu.memory_space<vmem>>, vector<1x64xf32>
    %add3A = vector.broadcast %get3A_4 : vector<1x64xf32> to vector<1000x64xf32>
    %add3A_5 = arith.addf %get3A_1, %add3A : vector<1000x64xf32>
    %get3A_6 = arith.constant 0 : index
    %get3A_7 = arith.constant 0 : index
    %get3A_8 = arith.constant 0 : index
    %get3A_9 = arith.constant 0 : index
    %get3A_10 = vector.load %arg1[%get3A_6, %get3A_7, %get3A_8, %get3A_9] : memref<2x2x1000x64xf32, #tpu.memory_space<vmem>>, vector<1x1x1000x64xf32>
    %get3A_11 = vector.shape_cast %get3A_10 : vector<1x1x1000x64xf32> to vector<1000x64xf32>
    %get3A_12 = arith.constant 0 : index
    %get3A_13 = arith.constant 0 : index
    %get3A_14 = arith.constant 0 : index
    %get3A_15 = arith.constant 0 : index
    %get3A_16 = vector.load %arg2[%get3A_12, %get3A_13, %get3A_14, %get3A_15] : memref<2x2x1000x16xf32, #tpu.memory_space<vmem>>, vector<1x1x1000x16xf32>
    %get3A_17 = vector.shape_cast %get3A_16 : vector<1x1x1000x16xf32> to vector<1000x16xf32>
    %reduce_max3A = arith.constant dense<0xFF800000> : vector<1000xf32>
    %reduce_max3A_18 = vector.multi_reduction <maximumf>, %get3A_17, %reduce_max3A [1] : vector<1000x16xf32> to vector<1000xf32>
    %broadcast_in_dim3A = vector.shape_cast %reduce_max3A_18 : vector<1000xf32> to vector<1000x1xf32>
    %max3A = arith.constant 1.000000e+00 : f32
    %max3A_19 = vector.broadcast %max3A : f32 to vector<1000x1xf32>
    %max3A_20 = arith.maximumf %broadcast_in_dim3A, %max3A_19 : vector<1000x1xf32>
    %div3A = arith.constant 1.000000e+00 : f32
    %div3A_21 = vector.broadcast %div3A : f32 to vector<1000x1xf32>
    %div3A_22 = arith.divf %div3A_21, %max3A_20 : vector<1000x1xf32>
    %mul3A = vector.broadcast %div3A_22 : vector<1000x1xf32> to vector<1000x64xf32>
    %mul3A_23 = arith.mulf %get3A_11, %mul3A : vector<1000x64xf32>
    %add3A_24 = arith.addf %add3A_5, %mul3A_23 : vector<1000x64xf32>
    %get3A_25 = arith.constant 1 : index
    %get3A_26 = arith.constant 0 : index
    %get3A_27 = arith.constant 0 : index
    %get3A_28 = arith.constant 0 : index
    %get3A_29 = vector.load %arg1[%get3A_25, %get3A_26, %get3A_27, %get3A_28] : memref<2x2x1000x64xf32, #tpu.memory_space<vmem>>, vector<1x1x1000x64xf32>
    %get3A_30 = vector.shape_cast %get3A_29 : vector<1x1x1000x64xf32> to vector<1000x64xf32>
    %get3A_31 = arith.constant 1 : index
    %get3A_32 = arith.constant 0 : index
    %get3A_33 = arith.constant 0 : index
    %get3A_34 = arith.constant 0 : index
    %get3A_35 = vector.load %arg2[%get3A_31, %get3A_32, %get3A_33, %get3A_34] : memref<2x2x1000x16xf32, #tpu.memory_space<vmem>>, vector<1x1x1000x16xf32>
    %get3A_36 = vector.shape_cast %get3A_35 : vector<1x1x1000x16xf32> to vector<1000x16xf32>
    %reduce_max3A_37 = arith.constant dense<0xFF800000> : vector<1000xf32>
    %reduce_max3A_38 = vector.multi_reduction <maximumf>, %get3A_36, %reduce_max3A_37 [1] : vector<1000x16xf32> to vector<1000xf32>
    %broadcast_in_dim3A_39 = vector.shape_cast %reduce_max3A_38 : vector<1000xf32> to vector<1000x1xf32>
    %max3A_40 = arith.constant 1.000000e+00 : f32
    %max3A_41 = vector.broadcast %max3A_40 : f32 to vector<1000x1xf32>
    %max3A_42 = arith.maximumf %broadcast_in_dim3A_39, %max3A_41 : vector<1000x1xf32>
    %div3A_43 = arith.constant 1.000000e+00 : f32
    %div3A_44 = vector.broadcast %div3A_43 : f32 to vector<1000x1xf32>
    %div3A_45 = arith.divf %div3A_44, %max3A_42 : vector<1000x1xf32>
    %mul3A_46 = vector.broadcast %div3A_45 : vector<1000x1xf32> to vector<1000x64xf32>
    %mul3A_47 = arith.mulf %get3A_30, %mul3A_46 : vector<1000x64xf32>
    %add3A_48 = arith.addf %add3A_24, %mul3A_47 : vector<1000x64xf32>
    %get3A_49 = arith.constant 0 : index
    %get3A_50 = arith.constant 1 : index
    %get3A_51 = arith.constant 0 : index
    %get3A_52 = arith.constant 0 : index
    %get3A_53 = vector.load %arg1[%get3A_49, %get3A_50, %get3A_51, %get3A_52] : memref<2x2x1000x64xf32, #tpu.memory_space<vmem>>, vector<1x1x1000x64xf32>
    %get3A_54 = vector.shape_cast %get3A_53 : vector<1x1x1000x64xf32> to vector<1000x64xf32>
    %get3A_55 = arith.constant 1 : index
    %get3A_56 = arith.constant 1 : index
    %get3A_57 = arith.constant 0 : index
    %get3A_58 = arith.constant 0 : index
    %get3A_59 = vector.load %arg1[%get3A_55, %get3A_56, %get3A_57, %get3A_58] : memref<2x2x1000x64xf32, #tpu.memory_space<vmem>>, vector<1x1x1000x64xf32>
    %get3A_60 = vector.shape_cast %get3A_59 : vector<1x1x1000x64xf32> to vector<1000x64xf32>
    %add3A_61 = arith.addf %get3A_54, %get3A_60 : vector<1000x64xf32>
    %get3A_62 = arith.constant 0 : index
    %get3A_63 = arith.constant 1 : index
    %get3A_64 = arith.constant 0 : index
    %get3A_65 = arith.constant 0 : index
    %get3A_66 = vector.load %arg2[%get3A_62, %get3A_63, %get3A_64, %get3A_65] : memref<2x2x1000x16xf32, #tpu.memory_space<vmem>>, vector<1x1x1000x16xf32>
    %get3A_67 = vector.shape_cast %get3A_66 : vector<1x1x1000x16xf32> to vector<1000x16xf32>
    %get3A_68 = arith.constant 1 : index
    %get3A_69 = arith.constant 1 : index
    %get3A_70 = arith.constant 0 : index
    %get3A_71 = arith.constant 0 : index
    %get3A_72 = vector.load %arg2[%get3A_68, %get3A_69, %get3A_70, %get3A_71] : memref<2x2x1000x16xf32, #tpu.memory_space<vmem>>, vector<1x1x1000x16xf32>
    %get3A_73 = vector.shape_cast %get3A_72 : vector<1x1x1000x16xf32> to vector<1000x16xf32>
    %add3A_74 = arith.addf %get3A_67, %get3A_73 : vector<1000x16xf32>
    %reduce_max3A_75 = arith.constant dense<0xFF800000> : vector<1000xf32>
    %reduce_max3A_76 = vector.multi_reduction <maximumf>, %add3A_74, %reduce_max3A_75 [1] : vector<1000x16xf32> to vector<1000xf32>
    %broadcast_in_dim3A_77 = vector.shape_cast %reduce_max3A_76 : vector<1000xf32> to vector<1000x1xf32>
    %max3A_78 = arith.constant 1.000000e+00 : f32
    %max3A_79 = vector.broadcast %max3A_78 : f32 to vector<1000x1xf32>
    %max3A_80 = arith.maximumf %broadcast_in_dim3A_77, %max3A_79 : vector<1000x1xf32>
    %div3A_81 = arith.constant 1.000000e+00 : f32
    %div3A_82 = vector.broadcast %div3A_81 : f32 to vector<1000x1xf32>
    %div3A_83 = arith.divf %div3A_82, %max3A_80 : vector<1000x1xf32>
    %mul3A_84 = vector.broadcast %div3A_83 : vector<1000x1xf32> to vector<1000x64xf32>
    %mul3A_85 = arith.mulf %add3A_61, %mul3A_84 : vector<1000x64xf32>
    %add3A_86 = arith.addf %add3A_48, %mul3A_85 : vector<1000x64xf32>
    %max3A_87 = arith.constant 0.000000e+00 : f32
    %max3A_88 = vector.broadcast %max3A_87 : f32 to vector<1000x64xf32>
    %max3A_89 = arith.maximumf %add3A_86, %max3A_88 : vector<1000x64xf32>
    %get3A_90 = arith.constant 0 : index
    %get3A_91 = arith.constant 0 : index
    %get3A_92 = vector.load %arg5[%get3A_90, %get3A_91] : memref<3x3xf32, #tpu.memory_space<vmem>>, vector<3x3xf32>
    %get3A_93 = arith.constant 0 : index
    %get3A_94 = arith.constant 0 : index
    %get3A_95 = arith.constant 0 : index
    %get3A_96 = vector.load %arg6[%get3A_93, %get3A_94, %get3A_95] : memref<3x64x64xf32, #tpu.memory_space<vmem>>, vector<3x64x64xf32>
    %dot_general3A = arith.constant dense<0.000000e+00> : vector<3x64x64xf32>
    %dot_general3A_97 = tpu.matmul %get3A_92, %get3A_96, %dot_general3A {dimension_numbers = #tpu.dot_dimension_numbers<[1], [0], [0], [1, 2], [0, 0, 1, 1, 1, 2], [], []>, transpose_lhs_hint = false} : vector<3x3xf32>, vector<3x64x64xf32>, vector<3x64x64xf32> -> vector<3x64x64xf32>
    %slice3A = vector.extract_strided_slice %dot_general3A_97 {offsets = [0, 0, 0], sizes = [1, 64, 64], strides = [1, 1, 1]} : vector<3x64x64xf32> to vector<1x64x64xf32>
    %squeeze3A = vector.shape_cast %slice3A : vector<1x64x64xf32> to vector<64x64xf32>
    %slice3A_98 = vector.extract_strided_slice %dot_general3A_97 {offsets = [1, 0, 0], sizes = [1, 64, 64], strides = [1, 1, 1]} : vector<3x64x64xf32> to vector<1x64x64xf32>
    %squeeze3A_99 = vector.shape_cast %slice3A_98 : vector<1x64x64xf32> to vector<64x64xf32>
    %slice3A_100 = vector.extract_strided_slice %dot_general3A_97 {offsets = [2, 0, 0], sizes = [1, 64, 64], strides = [1, 1, 1]} : vector<3x64x64xf32> to vector<1x64x64xf32>
    %squeeze3A_101 = vector.shape_cast %slice3A_100 : vector<1x64x64xf32> to vector<64x64xf32>
    %dot_general3A_102 = arith.constant dense<0.000000e+00> : vector<1000x64xf32>
    %dot_general3A_103 = tpu.matmul %max3A_89, %squeeze3A, %dot_general3A_102 {dimension_numbers = #tpu.dot_dimension_numbers<[1], [0], [0], [1], [0, 0, 1, 1], [], []>, transpose_lhs_hint = false} : vector<1000x64xf32>, vector<64x64xf32>, vector<1000x64xf32> -> vector<1000x64xf32>
    %swap3A = arith.constant 0 : index
    %swap3A_104 = arith.constant 0 : index
    %swap3A_105 = arith.constant 0 : index
    %swap3A_106 = vector.load %arg8[%swap3A, %swap3A_104, %swap3A_105] : memref<3x1000x64xf32, #tpu.memory_space<vmem>>, vector<1x1000x64xf32>
    %swap3A_107 = vector.shape_cast %swap3A_106 : vector<1x1000x64xf32> to vector<1000x64xf32>
    %swap3A_108 = vector.shape_cast %dot_general3A_103 : vector<1000x64xf32> to vector<1x1000x64xf32>
    tpu.vector_store %arg8[%swap3A, %swap3A_104, %swap3A_105], %swap3A_108 {strides = array<i32>} : memref<3x1000x64xf32, #tpu.memory_space<vmem>>, vector<1x1000x64xf32>,
    %dot_general3A_109 = arith.constant dense<0.000000e+00> : vector<1000x64xf32>
    %dot_general3A_110 = tpu.matmul %max3A_89, %squeeze3A_99, %dot_general3A_109 {dimension_numbers = #tpu.dot_dimension_numbers<[1], [0], [0], [1], [0, 0, 1, 1], [], []>, transpose_lhs_hint = false} : vector<1000x64xf32>, vector<64x64xf32>, vector<1000x64xf32> -> vector<1000x64xf32>
    %swap3A_111 = arith.constant 1 : index
    %swap3A_112 = arith.constant 0 : index
    %swap3A_113 = arith.constant 0 : index
    %swap3A_114 = vector.load %arg8[%swap3A_111, %swap3A_112, %swap3A_113] : memref<3x1000x64xf32, #tpu.memory_space<vmem>>, vector<1x1000x64xf32>
    %swap3A_115 = vector.shape_cast %swap3A_114 : vector<1x1000x64xf32> to vector<1000x64xf32>
    %swap3A_116 = vector.shape_cast %dot_general3A_110 : vector<1000x64xf32> to vector<1x1000x64xf32>
    tpu.vector_store %arg8[%swap3A_111, %swap3A_112, %swap3A_113], %swap3A_116 {strides = array<i32>} : memref<3x1000x64xf32, #tpu.memory_space<vmem>>, vector<1x1000x64xf32>,
    %dot_general3A_117 = arith.constant dense<0.000000e+00> : vector<1000x64xf32>
    %dot_general3A_118 = tpu.matmul %max3A_89, %squeeze3A_101, %dot_general3A_117 {dimension_numbers = #tpu.dot_dimension_numbers<[1], [0], [0], [1], [0, 0, 1, 1], [], []>, transpose_lhs_hint = false} : vector<1000x64xf32>, vector<64x64xf32>, vector<1000x64xf32> -> vector<1000x64xf32>
    %swap3A_119 = arith.constant 2 : index
    %swap3A_120 = arith.constant 0 : index
    %swap3A_121 = arith.constant 0 : index
    %swap3A_122 = vector.load %arg8[%swap3A_119, %swap3A_120, %swap3A_121] : memref<3x1000x64xf32, #tpu.memory_space<vmem>>, vector<1x1000x64xf32>
    %swap3A_123 = vector.shape_cast %swap3A_122 : vector<1x1000x64xf32> to vector<1000x64xf32>
    %swap3A_124 = vector.shape_cast %dot_general3A_118 : vector<1000x64xf32> to vector<1x1000x64xf32>
    tpu.vector_store %arg8[%swap3A_119, %swap3A_120, %swap3A_121], %swap3A_124 {strides = array<i32>} : memref<3x1000x64xf32, #tpu.memory_space<vmem>>, vector<1x1000x64xf32>,
    %get3A_125 = arith.constant 0 : index
    %get3A_126 = arith.constant 0 : index
    %get3A_127 = vector.load %arg7[%get3A_125, %get3A_126] : memref<64x64xf32, #tpu.memory_space<vmem>>, vector<64x64xf32>
    %dot_general3A_128 = arith.constant dense<0.000000e+00> : vector<1000x64xf32>
    %dot_general3A_129 = tpu.matmul %max3A_89, %get3A_127, %dot_general3A_128 {dimension_numbers = #tpu.dot_dimension_numbers<[1], [0], [0], [1], [0, 0, 1, 1], [], []>, transpose_lhs_hint = false} : vector<1000x64xf32>, vector<64x64xf32>, vector<1000x64xf32> -> vector<1000x64xf32>
    %swap3A_130 = arith.constant 0 : index
    %swap3A_131 = arith.constant 0 : index
    %swap3A_132 = vector.load %arg9[%swap3A_130, %swap3A_131] : memref<1000x64xf32, #tpu.memory_space<vmem>>, vector<1000x64xf32>
    tpu.vector_store %arg9[%swap3A_130, %swap3A_131], %dot_general3A_129 {strides = array<i32>} : memref<1000x64xf32, #tpu.memory_space<vmem>>, vector<1000x64xf32>,
    return
  }
  func.func @transform_0(%arg0: i32) -> (i32, i32, i32, i32) {
    %c0_i32 = arith.constant 0 : i32
    %c0_i32_0 = arith.constant 0 : i32
    %c0_i32_1 = arith.constant 0 : i32
    %c0_i32_2 = arith.constant 0 : i32
    return %c0_i32, %c0_i32_0, %arg0, %c0_i32_1 : i32, i32, i32, i32
  }
  func.func @transform_1(%arg0: i32) -> (i32, i32, i32, i32) {
    %c0_i32 = arith.constant 0 : i32
    %c0_i32_0 = arith.constant 0 : i32
    %c0_i32_1 = arith.constant 0 : i32
    %c0_i32_2 = arith.constant 0 : i32
    return %c0_i32, %c0_i32_0, %arg0, %c0_i32_1 : i32, i32, i32, i32
  }
  func.func @transform_2(%arg0: i32) -> (i32, i32) {
    %c0_i32 = arith.constant 0 : i32
    %c0_i32_0 = arith.constant 0 : i32
    return %arg0, %c0_i32 : i32, i32
  }
  func.func @transform_3(%arg0: i32) -> (i32, i32) {
    %c0_i32 = arith.constant 0 : i32
    %c0_i32_0 = arith.constant 0 : i32
    %c0_i32_1 = arith.constant 0 : i32
    return %c0_i32, %c0_i32_0 : i32, i32
  }
  func.func @transform_4(%arg0: i32) -> (i32, i32) {
    %c0_i32 = arith.constant 0 : i32
    %c0_i32_0 = arith.constant 0 : i32
    %c0_i32_1 = arith.constant 0 : i32
    return %c0_i32, %c0_i32_0 : i32, i32
  }
  func.func @transform_5(%arg0: i32) -> (i32, i32, i32) {
    %c0_i32 = arith.constant 0 : i32
    %c0_i32_0 = arith.constant 0 : i32
    %c0_i32_1 = arith.constant 0 : i32
    %c0_i32_2 = arith.constant 0 : i32
    return %c0_i32, %c0_i32_0, %c0_i32_1 : i32, i32, i32
  }
  func.func @transform_6(%arg0: i32) -> (i32, i32) {
    %c0_i32 = arith.constant 0 : i32
    %c0_i32_0 = arith.constant 0 : i32
    %c0_i32_1 = arith.constant 0 : i32
    return %c0_i32, %c0_i32_0 : i32, i32
  }
  func.func @transform_7(%arg0: i32) -> (i32, i32, i32) {
    %c0_i32 = arith.constant 0 : i32
    %c0_i32_0 = arith.constant 0 : i32
    %c0_i32_1 = arith.constant 0 : i32
    return %c0_i32, %arg0, %c0_i32_0 : i32, i32, i32
  }
  func.func @transform_8(%arg0: i32) -> (i32, i32) {
    %c0_i32 = arith.constant 0 : i32
    %c0_i32_0 = arith.constant 0 : i32
    return %arg0, %c0_i32 : i32, i32
  }
}

module attributes {stable_mosaic.version = 14 : i64} {
  func.func @_tc_epi_fin_body(%arg0: i32, %arg1: memref<2x2x1000x64xf32, #tpu.memory_space<vmem>>, %arg2: memref<2x2x1000x16xf32, #tpu.memory_space<vmem>>, %arg3: memref<1000x64xf32, #tpu.memory_space<vmem>>, %arg4: memref<1x64xf32, #tpu.memory_space<vmem>>, %arg5: memref<64x1xf32, #tpu.memory_space<vmem>>, %arg6: memref<1x1xf32, #tpu.memory_space<vmem>>, %arg7: memref<1000x1xf32, #tpu.memory_space<vmem>>) attributes {dimension_semantics = [#tpu.dimension_semantics<arbitrary>], iteration_bounds = array<i64: 8>, scalar_prefetch = 0 : i64, scratch_operands = 0 : i64, tpu.core_type = #tpu.core_type<tc>, window_params = [{transform_indices = @transform_0, window_bounds = array<i64: 2, 2, 1000, 64>}, {transform_indices = @transform_1, window_bounds = array<i64: 2, 2, 1000, 16>}, {transform_indices = @transform_2, window_bounds = array<i64: 1000, 64>}, {pipeline_mode = #tpu.pipeline_mode<synchronous>, transform_indices = @transform_3, window_bounds = array<i64: 1, 64>}, {pipeline_mode = #tpu.pipeline_mode<synchronous>, transform_indices = @transform_4, window_bounds = array<i64: 64, 1>}, {pipeline_mode = #tpu.pipeline_mode<synchronous>, transform_indices = @transform_5, window_bounds = array<i64: 1, 1>}, {transform_indices = @transform_6, window_bounds = array<i64: 1000, 1>}]} {
    %get3A = arith.constant 0 : index
    %get3A_0 = arith.constant 0 : index
    %get3A_1 = vector.load %arg3[%get3A, %get3A_0] : memref<1000x64xf32, #tpu.memory_space<vmem>>, vector<1000x64xf32>
    %get3A_2 = arith.constant 0 : index
    %get3A_3 = arith.constant 0 : index
    %get3A_4 = vector.load %arg4[%get3A_2, %get3A_3] : memref<1x64xf32, #tpu.memory_space<vmem>>, vector<1x64xf32>
    %add3A = vector.broadcast %get3A_4 : vector<1x64xf32> to vector<1000x64xf32>
    %add3A_5 = arith.addf %get3A_1, %add3A : vector<1000x64xf32>
    %get3A_6 = arith.constant 0 : index
    %get3A_7 = arith.constant 0 : index
    %get3A_8 = arith.constant 0 : index
    %get3A_9 = arith.constant 0 : index
    %get3A_10 = vector.load %arg1[%get3A_6, %get3A_7, %get3A_8, %get3A_9] : memref<2x2x1000x64xf32, #tpu.memory_space<vmem>>, vector<1x1x1000x64xf32>
    %get3A_11 = vector.shape_cast %get3A_10 : vector<1x1x1000x64xf32> to vector<1000x64xf32>
    %get3A_12 = arith.constant 0 : index
    %get3A_13 = arith.constant 0 : index
    %get3A_14 = arith.constant 0 : index
    %get3A_15 = arith.constant 0 : index
    %get3A_16 = vector.load %arg2[%get3A_12, %get3A_13, %get3A_14, %get3A_15] : memref<2x2x1000x16xf32, #tpu.memory_space<vmem>>, vector<1x1x1000x16xf32>
    %get3A_17 = vector.shape_cast %get3A_16 : vector<1x1x1000x16xf32> to vector<1000x16xf32>
    %reduce_max3A = arith.constant dense<0xFF800000> : vector<1000xf32>
    %reduce_max3A_18 = vector.multi_reduction <maximumf>, %get3A_17, %reduce_max3A [1] : vector<1000x16xf32> to vector<1000xf32>
    %broadcast_in_dim3A = vector.shape_cast %reduce_max3A_18 : vector<1000xf32> to vector<1000x1xf32>
    %max3A = arith.constant 1.000000e+00 : f32
    %max3A_19 = vector.broadcast %max3A : f32 to vector<1000x1xf32>
    %max3A_20 = arith.maximumf %broadcast_in_dim3A, %max3A_19 : vector<1000x1xf32>
    %div3A = arith.constant 1.000000e+00 : f32
    %div3A_21 = vector.broadcast %div3A : f32 to vector<1000x1xf32>
    %div3A_22 = arith.divf %div3A_21, %max3A_20 : vector<1000x1xf32>
    %mul3A = vector.broadcast %div3A_22 : vector<1000x1xf32> to vector<1000x64xf32>
    %mul3A_23 = arith.mulf %get3A_11, %mul3A : vector<1000x64xf32>
    %add3A_24 = arith.addf %add3A_5, %mul3A_23 : vector<1000x64xf32>
    %get3A_25 = arith.constant 1 : index
    %get3A_26 = arith.constant 0 : index
    %get3A_27 = arith.constant 0 : index
    %get3A_28 = arith.constant 0 : index
    %get3A_29 = vector.load %arg1[%get3A_25, %get3A_26, %get3A_27, %get3A_28] : memref<2x2x1000x64xf32, #tpu.memory_space<vmem>>, vector<1x1x1000x64xf32>
    %get3A_30 = vector.shape_cast %get3A_29 : vector<1x1x1000x64xf32> to vector<1000x64xf32>
    %get3A_31 = arith.constant 1 : index
    %get3A_32 = arith.constant 0 : index
    %get3A_33 = arith.constant 0 : index
    %get3A_34 = arith.constant 0 : index
    %get3A_35 = vector.load %arg2[%get3A_31, %get3A_32, %get3A_33, %get3A_34] : memref<2x2x1000x16xf32, #tpu.memory_space<vmem>>, vector<1x1x1000x16xf32>
    %get3A_36 = vector.shape_cast %get3A_35 : vector<1x1x1000x16xf32> to vector<1000x16xf32>
    %reduce_max3A_37 = arith.constant dense<0xFF800000> : vector<1000xf32>
    %reduce_max3A_38 = vector.multi_reduction <maximumf>, %get3A_36, %reduce_max3A_37 [1] : vector<1000x16xf32> to vector<1000xf32>
    %broadcast_in_dim3A_39 = vector.shape_cast %reduce_max3A_38 : vector<1000xf32> to vector<1000x1xf32>
    %max3A_40 = arith.constant 1.000000e+00 : f32
    %max3A_41 = vector.broadcast %max3A_40 : f32 to vector<1000x1xf32>
    %max3A_42 = arith.maximumf %broadcast_in_dim3A_39, %max3A_41 : vector<1000x1xf32>
    %div3A_43 = arith.constant 1.000000e+00 : f32
    %div3A_44 = vector.broadcast %div3A_43 : f32 to vector<1000x1xf32>
    %div3A_45 = arith.divf %div3A_44, %max3A_42 : vector<1000x1xf32>
    %mul3A_46 = vector.broadcast %div3A_45 : vector<1000x1xf32> to vector<1000x64xf32>
    %mul3A_47 = arith.mulf %get3A_30, %mul3A_46 : vector<1000x64xf32>
    %add3A_48 = arith.addf %add3A_24, %mul3A_47 : vector<1000x64xf32>
    %get3A_49 = arith.constant 0 : index
    %get3A_50 = arith.constant 1 : index
    %get3A_51 = arith.constant 0 : index
    %get3A_52 = arith.constant 0 : index
    %get3A_53 = vector.load %arg1[%get3A_49, %get3A_50, %get3A_51, %get3A_52] : memref<2x2x1000x64xf32, #tpu.memory_space<vmem>>, vector<1x1x1000x64xf32>
    %get3A_54 = vector.shape_cast %get3A_53 : vector<1x1x1000x64xf32> to vector<1000x64xf32>
    %get3A_55 = arith.constant 1 : index
    %get3A_56 = arith.constant 1 : index
    %get3A_57 = arith.constant 0 : index
    %get3A_58 = arith.constant 0 : index
    %get3A_59 = vector.load %arg1[%get3A_55, %get3A_56, %get3A_57, %get3A_58] : memref<2x2x1000x64xf32, #tpu.memory_space<vmem>>, vector<1x1x1000x64xf32>
    %get3A_60 = vector.shape_cast %get3A_59 : vector<1x1x1000x64xf32> to vector<1000x64xf32>
    %add3A_61 = arith.addf %get3A_54, %get3A_60 : vector<1000x64xf32>
    %get3A_62 = arith.constant 0 : index
    %get3A_63 = arith.constant 1 : index
    %get3A_64 = arith.constant 0 : index
    %get3A_65 = arith.constant 0 : index
    %get3A_66 = vector.load %arg2[%get3A_62, %get3A_63, %get3A_64, %get3A_65] : memref<2x2x1000x16xf32, #tpu.memory_space<vmem>>, vector<1x1x1000x16xf32>
    %get3A_67 = vector.shape_cast %get3A_66 : vector<1x1x1000x16xf32> to vector<1000x16xf32>
    %get3A_68 = arith.constant 1 : index
    %get3A_69 = arith.constant 1 : index
    %get3A_70 = arith.constant 0 : index
    %get3A_71 = arith.constant 0 : index
    %get3A_72 = vector.load %arg2[%get3A_68, %get3A_69, %get3A_70, %get3A_71] : memref<2x2x1000x16xf32, #tpu.memory_space<vmem>>, vector<1x1x1000x16xf32>
    %get3A_73 = vector.shape_cast %get3A_72 : vector<1x1x1000x16xf32> to vector<1000x16xf32>
    %add3A_74 = arith.addf %get3A_67, %get3A_73 : vector<1000x16xf32>
    %reduce_max3A_75 = arith.constant dense<0xFF800000> : vector<1000xf32>
    %reduce_max3A_76 = vector.multi_reduction <maximumf>, %add3A_74, %reduce_max3A_75 [1] : vector<1000x16xf32> to vector<1000xf32>
    %broadcast_in_dim3A_77 = vector.shape_cast %reduce_max3A_76 : vector<1000xf32> to vector<1000x1xf32>
    %max3A_78 = arith.constant 1.000000e+00 : f32
    %max3A_79 = vector.broadcast %max3A_78 : f32 to vector<1000x1xf32>
    %max3A_80 = arith.maximumf %broadcast_in_dim3A_77, %max3A_79 : vector<1000x1xf32>
    %div3A_81 = arith.constant 1.000000e+00 : f32
    %div3A_82 = vector.broadcast %div3A_81 : f32 to vector<1000x1xf32>
    %div3A_83 = arith.divf %div3A_82, %max3A_80 : vector<1000x1xf32>
    %mul3A_84 = vector.broadcast %div3A_83 : vector<1000x1xf32> to vector<1000x64xf32>
    %mul3A_85 = arith.mulf %add3A_61, %mul3A_84 : vector<1000x64xf32>
    %add3A_86 = arith.addf %add3A_48, %mul3A_85 : vector<1000x64xf32>
    %max3A_87 = arith.constant 0.000000e+00 : f32
    %max3A_88 = vector.broadcast %max3A_87 : f32 to vector<1000x64xf32>
    %max3A_89 = arith.maximumf %add3A_86, %max3A_88 : vector<1000x64xf32>
    %get3A_90 = arith.constant 0 : index
    %get3A_91 = arith.constant 0 : index
    %get3A_92 = vector.load %arg5[%get3A_90, %get3A_91] : memref<64x1xf32, #tpu.memory_space<vmem>>, vector<64x1xf32>
    %dot_general3A = arith.constant dense<0.000000e+00> : vector<1000x1xf32>
    %dot_general3A_93 = tpu.matmul %max3A_89, %get3A_92, %dot_general3A {dimension_numbers = #tpu.dot_dimension_numbers<[1], [0], [0], [1], [0, 0, 1, 1], [], []>, transpose_lhs_hint = false} : vector<1000x64xf32>, vector<64x1xf32>, vector<1000x1xf32> -> vector<1000x1xf32>
    %get3A_94 = arith.constant 0 : index
    %get3A_95 = arith.constant 0 : index
    %get3A_96 = vector.load %arg6[%get3A_94, %get3A_95] : memref<1x1xf32, #tpu.memory_space<vmem>>, vector<1x1xf32>
    %add3A_97 = vector.broadcast %get3A_96 : vector<1x1xf32> to vector<1000x1xf32>
    %add3A_98 = arith.addf %dot_general3A_93, %add3A_97 : vector<1000x1xf32>
    %swap3A = arith.constant 0 : index
    %swap3A_99 = arith.constant 0 : index
    %swap3A_100 = vector.load %arg7[%swap3A, %swap3A_99] : memref<1000x1xf32, #tpu.memory_space<vmem>>, vector<1000x1xf32>
    tpu.vector_store %arg7[%swap3A, %swap3A_99], %add3A_98 {strides = array<i32>} : memref<1000x1xf32, #tpu.memory_space<vmem>>, vector<1000x1xf32>,
    return
  }
  func.func @transform_0(%arg0: i32) -> (i32, i32, i32, i32) {
    %c0_i32 = arith.constant 0 : i32
    %c0_i32_0 = arith.constant 0 : i32
    %c0_i32_1 = arith.constant 0 : i32
    %c0_i32_2 = arith.constant 0 : i32
    return %c0_i32, %c0_i32_0, %arg0, %c0_i32_1 : i32, i32, i32, i32
  }
  func.func @transform_1(%arg0: i32) -> (i32, i32, i32, i32) {
    %c0_i32 = arith.constant 0 : i32
    %c0_i32_0 = arith.constant 0 : i32
    %c0_i32_1 = arith.constant 0 : i32
    %c0_i32_2 = arith.constant 0 : i32
    return %c0_i32, %c0_i32_0, %arg0, %c0_i32_1 : i32, i32, i32, i32
  }
  func.func @transform_2(%arg0: i32) -> (i32, i32) {
    %c0_i32 = arith.constant 0 : i32
    %c0_i32_0 = arith.constant 0 : i32
    return %arg0, %c0_i32 : i32, i32
  }
  func.func @transform_3(%arg0: i32) -> (i32, i32) {
    %c0_i32 = arith.constant 0 : i32
    %c0_i32_0 = arith.constant 0 : i32
    %c0_i32_1 = arith.constant 0 : i32
    return %c0_i32, %c0_i32_0 : i32, i32
  }
  func.func @transform_4(%arg0: i32) -> (i32, i32) {
    %c0_i32 = arith.constant 0 : i32
    %c0_i32_0 = arith.constant 0 : i32
    %c0_i32_1 = arith.constant 0 : i32
    return %c0_i32, %c0_i32_0 : i32, i32
  }
  func.func @transform_5(%arg0: i32) -> (i32, i32) {
    %c0_i32 = arith.constant 0 : i32
    %c0_i32_0 = arith.constant 0 : i32
    %c0_i32_1 = arith.constant 0 : i32
    return %c0_i32, %c0_i32_0 : i32, i32
  }
  func.func @transform_6(%arg0: i32) -> (i32, i32) {
    %c0_i32 = arith.constant 0 : i32
    %c0_i32_0 = arith.constant 0 : i32
    return %arg0, %c0_i32 : i32, i32
  }
}

</mosaic_0001>

<sc_bundles>
// kernel: kernel.12.cloned.1.call-start
scs
__scs_entry_jumppad:
0x0: {  	(pc) =	sbr.rel $0x88, $3  }
0x1: {  	(tag) =	ssettag $0x0;
	lr =	simm.s32 $0x1  }
0x2: {  	[smem:$0x3F8E] =	sst lr;
	_ =	strace $0xD0000000  }
0x3: {  	_ = 	snop  }
0x4: {  	_ = 	snop  }
0x5: {  	_ = 	snop  }
0x6: {  	_ = 	snop  }
0x7: {  	_ = 	snop  }
__scs_overlays_trampoline_lowered:
0x8: {  	[smem:$0x3F9D] =	sst s0  }
0x9: {  	[smem:$0x3F9E] =	sst s1  }
0xa: {  	[smem:$0x3F9F] =	sst s2  }
0xb: {  	[smem:$0x3FA0] =	sst s3  }
0xc: {  	[smem:$0x3FA1] =	sst s4  }
0xd: {  	[smem:$0x3FA2] =	sst s5  }
0xe: {  	[smem:$0x3FA3] =	sst s6  }
0xf: {  	[smem:$0x3FA4] =	sst s7  }
0x10: {  	[smem:$0x3FA5] =	sst s8  }
0x11: {  	[smem:$0x3FA6] =	sst s9;
	s0 =	simm.s32 @!p0 $0x0  }
0x12: {  	s1 =	sld [smem:$0x3F8C];
	s0 =	simm.s32 @p0 $0x1  }
0x13: {  	[smem:$0x3FA7] =	sst s0;
	s0 =	simm.s32 @!p1 $0x0  }
0x14: {  	s2 =	sld [smem:$0x3F8B];
	s0 =	simm.s32 @p1 $0x1  }
0x15: {  	[smem:$0x3FA8] =	sst s0;
	s0 =	simm.s32 @!p2 $0x0  }
0x16: {  	s3 =	sld [smem:$0x3FDB];
	s0 =	simm.s32 @p2 $0x1  }
0x17: {  	s4 =	simm.s32 $0x1BF5;
	[smem:$0x3FAA] =	sst s0  }
0x18: {  	s0 =	sld [smem:$0x3F8D];
	_ =	swait.ge [sflag:s4], $0x0  }
0x19: {  	s7 =	sld [smem:$0x3F8E]  }
0x1a: {  	s8 =	sadd.s32 $0xFFFFE003, lr  }
0x1b: {  	s9 =	sadd.s32 $0xFFFFFEF7, lr;
	s5 =	simm.s32 $0xFFFFFFFF;
	p2 =	slt.u32 s8, $0xFFFFF086  }
0x1c: {  	p1 =	slt.u32 s9, $0xF7A;
	s5 =	simm.s32 @!p2 $0x0  }
0x1d: {  	s5 =	simm.s32 @p1 $0x1;
	p0 =	seq.s32 s7, s2  }
0x1e: {  	s7 =	smul.u32 @!p0 $0xF7A, s2;
	p2 =	seq.s32 @!p0 s5, $0x0  }
0x1f: {  	s9 =	smul.u32 $0xF7A, s1;
	s8 =	simm.s32 @!p0 $0x1BF5;
	p2 =	por !p2, p0  }
0x20: {  	[sflag:s8] =	ssyncset.s32 @!p0 $0xFFFFF086;
	s6 =	sadd.s32 @!p0 s3, s7;
	s7 =	simm.s32 @!p0 $0x108  }
0x21: {  	s3 =	sadd.s32 s3, s9;
	s6 =	sadd.s32 @!p0 $0x88, s6;
	s7 =	simm.s32 @p2 $0x1082  }
0x22: {  	[simem:s7], [sflag:s8] =	dma.local @!p0 [hbm:s6], $0xF7A  }
0x23: {  	s9 =	sor.u32 $0xD0000000, s2;
	s6 =	simm.s32 $0x108;
	_ =	swait.ge @!p0 [sflag:s8], $0x0  }
0x24: {  	s3 =	sadd.s32 $0x88, s3;
	s6 =	simm.s32 @!p1 $0x1082;
	[sflag:s4] =	ssyncset.s32 $0xFFFFF086  }
0x25: {  	[simem:s6], [sflag:s4] =	dma.local [hbm:s3], $0xF7A  }
0x26: {  	[smem:$0x3F8E] =	sst s1;
	(tag) =	ssettag s2;
	_ =	strace s9  }
0x27: {  	s1 =	sld [smem:$0x3F9E]  }
0x28: {  	s2 =	sld [smem:$0x3F9F]  }
0x29: {  	s4 =	sld [smem:$0x3FA1]  }
0x2a: {  	p0 =	seq.s32 s5, $0x0;
	s5 =	sld [smem:$0x3FA2]  }
0x2b: {  	s6 =	sld [smem:$0x3FA3]  }
0x2c: {  	s7 =	sld [smem:$0x3FA4]  }
0x2d: {  	s3 =	simm.s32 $0x108;
	s8 =	sld [smem:$0x3FA5]  }
0x2e: {  	s3 =	simm.s32 @!p0 $0x1082;
	s9 =	sld [smem:$0x3FA6]  }
0x2f: {  	lr =	sadd.s32 s0, s3;
	s0 =	sld [smem:$0x3F9D]  }
0x30: {  	s3 =	sld [smem:$0x3FA0]  }
0x31: {  	[smem:$0x3FA9] =	sst s10  }
0x32: {  	s10 =	sld [smem:$0x3FA7];
	_ =	sdelay $0x3  }
0x33: {  	p0 =	seq.s32 s10, $0x1;
	s10 =	sld [smem:$0x3FA9];
	_ =	sdelay $0x3  }
0x34: {  	[smem:$0x3FA9] =	sst s10  }
0x35: {  	s10 =	sld [smem:$0x3FA8];
	_ =	sdelay $0x3  }
0x36: {  	p1 =	seq.s32 s10, $0x1;
	s10 =	sld [smem:$0x3FA9];
	_ =	sdelay $0x3  }
0x37: {  	[smem:$0x3FA9] =	sst s10  }
0x38: {  	s10 =	sld [smem:$0x3FAA]  }
0x39: {  	_ = 	snop;
	(pc) =	sbr.ind lr, $3  }
0x3a: {  	_ = 	snop  }
0x3b: {  	_ = 	snop  }
0x3c: {  	p2 =	seq.s32 s10, $0x1;
	s10 =	sld [smem:$0x3FA9]  }
0x3d: {  	_ =	shalt  }
0x3e: {  	_ =	shalt  }
0x3f: {  	_ =	shalt  }
0x40: {  	_ =	shalt  }
0x41: {  	_ =	shalt  }
0x42: {  	_ =	shalt  }
0x43: {  	_ =	shalt  }
0x44: {  	_ =	shalt  }
0x45: {  	_ =	shalt  }
0x46: {  	_ =	shalt  }
0x47: {  	_ =	shalt  }
0x48: {  	_ =	shalt  }
0x49: {  	_ =	shalt  }
0x4a: {  	_ =	shalt  }
0x4b: {  	_ =	shalt  }
0x4c: {  	_ =	shalt  }
0x4d: {  	_ =	shalt  }
0x4e: {  	_ =	shalt  }
0x4f: {  	_ =	shalt  }
0x50: {  	_ =	shalt  }
0x51: {  	_ =	shalt  }
0x52: {  	_ =	shalt  }
0x53: {  	_ =	shalt  }
0x54: {  	_ =	shalt  }
0x55: {  	_ =	shalt  }
0x56: {  	_ =	shalt  }
0x57: {  	_ =	shalt  }
0x58: {  	_ =	shalt  }
0x59: {  	_ =	shalt  }
0x5a: {  	_ =	shalt  }
0x5b: {  	_ =	shalt  }
0x5c: {  	_ =	shalt  }
0x5d: {  	_ =	shalt  }
0x5e: {  	_ =	shalt  }
0x5f: {  	_ =	shalt  }
0x60: {  	_ =	shalt  }
0x61: {  	_ =	shalt  }
0x62: {  	_ =	shalt  }
0x63: {  	_ =	shalt  }
0x64: {  	_ =	shalt  }
0x65: {  	_ =	shalt  }
0x66: {  	_ =	shalt  }
0x67: {  	_ =	shalt  }
0x68: {  	_ =	shalt  }
0x69: {  	_ =	shalt  }
0x6a: {  	_ =	shalt  }
0x6b: {  	_ =	shalt  }
0x6c: {  	_ =	shalt  }
0x6d: {  	_ =	shalt  }
0x6e: {  	_ =	shalt  }
0x6f: {  	_ =	shalt  }
0x70: {  	_ =	shalt  }
0x71: {  	_ =	shalt  }
0x72: {  	_ =	shalt  }
0x73: {  	_ =	shalt  }
0x74: {  	_ =	shalt  }
0x75: {  	_ =	shalt  }
0x76: {  	_ =	shalt  }
0x77: {  	_ =	shalt  }
0x78: {  	_ =	shalt  }
0x79: {  	_ =	shalt  }
0x7a: {  	_ =	shalt  }
0x7b: {  	_ =	shalt  }
0x7c: {  	_ =	shalt  }
0x7d: {  	_ =	shalt  }
0x7e: {  	_ =	shalt  }
0x7f: {  	_ =	shalt  }
0x80: {  	_ =	shalt  }
0x81: {  	_ =	shalt  }
0x82: {  	_ =	shalt  }
0x83: {  	_ =	shalt  }
0x84: {  	_ =	shalt  }
0x85: {  	_ =	shalt  }
0x86: {  	_ =	shalt  }
0x87: {  	_ =	shalt  }
.Lfunc_end0:
.L_simem_size_0:
called_computation.1_lowered:
.L_overlay_start_0:
0x88: {  	s2 =	sld [smem:$0x3FD9]  }
0x89: {  	s3 =	sld [smem:$0x3FFE];
	_ =	sdelay $0x1  }
0x8a: {  	s1 =	srdreg.scid  }
0x8b: {  	s0 =	sand.u32 $0x1, s1  }
0x8c: {  	s16 =	sshll.u32 s0, $0xA;
	s2 =	sadd.s32 s3, s2  }
0x8d: {  	s2 =	sadd.s32 s2, s16  }
0x8e: {  	[smem:$0x3FB5] =	sst s2  }
0x8f: {  	_ = 	snop  }
0x90: {  	(tm) =	ssettm $0x1  }
0x91: {  	s17 =	sld [smem:$0x3FFB];
	_ =	sdelay $0x3  }
0x92: {  	_ =	strace s17  }
0x93: {  	s2 =	sld [smem:$0x3FFC];
	_ =	sdelay $0x3  }
0x94: {  	_ =	strace s2  }
0x95: {  	s2 =	sld [smem:$0x3FFD];
	_ =	sdelay $0x3  }
0x96: {  	_ =	strace s2  }
0x97: {  	_ =	strace $0x8FFFFFFF  }
0x98: {  	s18 =	sld [smem:$0x3FDB];
	_ =	sdelay $0x1  }
0x99: {  	s19 =	simm.s32 $_scs_section_size  }
0x9a: {  	s4 =	simm.s32 $_size__tile_overlayer_lowered;
	s5 =	simm.s32 $_tile_overlayer_lowered  }
0x9b: {  	s22 =	simm.s32 $0x1BFF;
	s21 =	sshll.u32 s5, $0x1;
	s2 =	sadd.s32 s19, s18  }
0x9c: {  	s6 =	simm.s32 $0x0;
	s20 =	sshll.u32 s4, $0x1;
	s4 =	sadd.s32 s21, s2  }
0x9d: {  	[timem:s6], [sflag:s22] =	dma.local [hbm:s4], s20  }
0x9e: {  	_ =	swait.ge [sflag:s22], s20  }
0x9f: {  	s3 =	ssub.s32 $0x0, s20;
	[sflag:s22] =	ssyncset.done $0x0  }
0xa0: {  	[sflag:s22] =	ssyncadd.s32 s3;
	_ =	sdelay $0x1  }
0xa1: {  	s23 =	simm.s32 $0x1B8B  }
0xa2: {  	_ =	swait.ge [sflag:s23], $0x1  }
0xa3: {  	[sflag:s23] =	ssyncset.done $0x0  }
0xa4: {  	s25 =	simm.s32 $0x1B8E;
	s24 =	sld [smem:$0x3FFE];
	[sflag:s23] =	ssyncadd.s32 $0xFFFFFFFF  }
0xa5: {  	s26 =	simm.s32 $execute0_lowered;
	[smem:$0x3FD2] =	sst s25  }
0xa6: {  	s4 =	sshll.u32 s26, $0x1;
	_ =	strace $0x80000046;
	[dreg:$0x1] =	wrdreg $0xFFFFFFFF  }
0xa7: {  	s28 =	simm.s32 $_size_execute0_lowered;
	s2 =	sadd.s32 s2, s4;
	[dreg:$0x0] =	wrdreg $0x0  }
0xa8: {  	s4 =	sshll.u32 s28, $0x1;
	[dreg:$0x2] =	wrdreg s2  }
0xa9: {  	[dreg:$0x3] =	wrdreg s4  }
0xaa: {  	[dreg:$0x4] =	wrdreg $0xC0  }
0xab: {  	_ =	task [dreg:s6], $0x5FFFF  }
0xac: {  	[dreg:$0x1] =	wrdreg $0xFFFFFFFF  }
0xad: {  	[dreg:$0x0] =	wrdreg $0x60  }
0xae: {  	[dreg:$0x2] =	wrdreg s24  }
0xaf: {  	[dreg:$0x3] =	wrdreg $0xAF000  }
0xb0: {  	[dreg:$0x4] =	wrdreg $0xA  }
0xb1: {  	_ =	task.clear_ibuf [dreg:s6], $0x5FFFF;
	_ =	strace $0x90000046  }
0xb2: {  	s29 =	simm.s32 $0xA;
	_ =	strace $0x80000048  }
0xb3: {  	_ =	swait.ge [sflag:s29], $0x1  }
0xb4: {  	[sflag:s29] =	ssyncadd.s32 $0xFFFFFFFF  }
0xb5: {  	_ =	strace $0x90000048  }
0xb6: {  	_ =	sfence  }
0xb7: {  	s30 =	sld [smem:$0x0];
	_ =	sdelay $0x2  }
0xb8: {  	s31 =	sshll.u32 s1, $0xD;
	s1 =	sshrl.u32 s1, $0x2  }
0xb9: {  	s3 =	sand.u32 $0x4000, s31;
	s1 =	sadd.s32 s1, s30  }
0xba: {  	s0 =	sor.u32 s3, s0;
	s1 =	sshll.u32 s1, $0x11  }
0xbb: {  	s0 =	sor.u32 s1, s0  }
0xbc: {  	s0 =	sadd.s32 $0x8F2B, s0  }
0xbd: {  	[sflag:s0] =	ssyncadd.remote.s32 $0x1  }
0xbe: {  	_ =	sfence.sel $0xFFFF  }
0xbf: {  	[dreg:$0x0] =	wrdreg $0xFFFFFFFF;
	(pc) =	sbr.abs _section_cstart, $3  }
0xc0: {  	[dreg:$0x1] =	wrdreg $0xFFFFFFFF  }
0xc1: {  	_ =	task.clear_ibuf [dreg:s6], $0x2FFFF;
	_ =	strace $0x9FFFFFFF  }
0xc2: {  	(tm) =	ssettm $0x7FFFFFFF  }
0xc3: {  	_ =	shalt  }
tec
execute0_lowered:
.L_overlay_start_1:
0x0: {  	(tag) =	ssettag $0x1  }
0x1: {  	s0 =	rddreg [dreg:$0x0]  }
0x2: {  	s2 =	rddreg [dreg:$0x1];
	s3 =	srdreg.scid  }
0x3: {  	s1 =	stileid.u32;
	s14 =	simm.s32 $0x80;
	s15 =	simm.s32 $0x4F00  }
0x4: {  	s16 =	simm.s32 $0x6F00;
	s17 =	simm.s32 $0x1;
	s18 =	simm.s32 $0x8F00  }
0x5: {  	s19 =	simm.s32 $0x2;
	s20 =	simm.s32 $0x4;
	s21 =	simm.s32 $0x3  }
0x6: {  	s22 =	simm.s32 $0x5;
	s23 =	simm.s32 $0x6;
	s24 =	simm.s32 $0x2680  }
0x7: {  	s25 =	simm.s32 $0x4D00;
	s28 =	simm.s32 $0x4D80;
	s29 =	simm.s32 $0x4E00  }
0x8: {  	s30 =	simm.s32 $0x4E80;
	s31 =	simm.s32 $0x0;
	s5 =	sand.u32 $0x1, s3  }
0x9: {  	s3 =	simm.s32 $0x0;
	s8 =	smul.u32 $0x13A00, s1;
	s26 =	sshll.u32 s1, $0x6  }
0xa: {  	s4 =	sshll.u32 s5, $0x4;
	[smem:$0x7FF] =	sst s3;
	s6 =	smul.u32 $0x13A000, s5  }
0xb: {  	s9 =	ssub.s32 $0x2, s5;
	s5 =	sadd.s32 $0x14600, s0;
	s12 =	sor.u32 $0x1C07, s26  }
0xc: {  	s26 =	simm.s32 $0x2700;
	s4 =	sor.u32 s1, s4;
	_ =	strace $0x80000047  }
0xd: {  	s10 =	sshrl.u32 s9, $0x1;
	s13 =	sadd.s32 s8, s2;
	s7 =	smul.u32 $0x4F0, s4  }
0xe: {  	s4 =	sadd.s32 $0x75E00, s0;
	s6 =	sadd.s32 s8, s6;
	s9 =	ssub.s32 s9, s10  }
0xf: {  	s10 =	simm.s32 $0x7;
	s13 =	sshrl.u32 s13, $0x3;
	s6 =	sshrl.u32 s6, $0x3  }
0x10: {  	s9 =	smax.u32 s9, $0x1;
	s7 =	sadd.s32 s7, s0;
	s0 =	sadd.s32 s6, s0  }
0x11: {  	s6 =	sadd.s32 $0xA800, s7;
	s7 =	sadd.s32 $0xA00, s7;
	s8 =	sadd.s32 $0x16E00, s0  }
.LBB2_1:
0x12: {  	[tilespmem:s3], [sflag:$0x7] =	stream.linear.gather [hbm4b:s6+s3], $0x2780, $0x38;
	[tilespmem:$0x1E900] =	vst v63  }
0x13: {  	_ =	swait.ge [sflag:s10], $0x2780  }
0x14: {  	[sflag:s10] =	ssyncset.done $0x0  }
0x15: {  	s0 =	simm.s32 $0x2780;
	[sflag:s10] =	ssyncadd.s32 $0xFFFFD880  }
0x16: {  	[tilespmem:s0], [sflag:$0x7] =	stream.linear.gather [hbm4b:s7+s3], $0x2780, $0x38;
	[tilespmem:$0x1E900] =	vst v63  }
0x17: {  	_ =	swait.ge [sflag:s10], $0x2780  }
0x18: {  	[sflag:s10] =	ssyncset.done $0x0  }
0x19: {  	[sflag:s10] =	ssyncadd.s32 $0xFFFFD880  }
0x1a: {  	[spmem:s13], [sflag:s12] =	dma.local [hbm:s5], $0x2740  }
0x1b: {  	_ =	swait.ge [sflag:s10], $0x2740  }
0x1c: {  	[sflag:s10] =	ssyncset.done $0x0  }
0x1d: {  	[sflag:s10] =	ssyncadd.s32 $0xFFFFD8C0  }
0x1e: {  	[bflag:$0x0] =	sbarrier.arrive $0xFFFF  }
0x1f: {  	[tilespmem:s15], [sflag:$0x1] =	stream.indirect.gather [hbm4b:s4+s14], $0x40, s3, s14, $0xb8;
	[tilespmem:$0x1E900] =	vst v63  }
0x20: {  	_ = 	snop  }
0x21: {  	[tilespmem:s16], [sflag:$0x2] =	stream.indirect.gather [hbm4b:s4+s14], $0x40, s14, s14, $0xb8;
	[tilespmem:$0x1E900] =	vst v63  }
0x22: {  	_ =	swait.ge [sflag:s17], $0x2000  }
0x23: {  	[sflag:s17] =	ssyncset.done $0x0  }
0x24: {  	s1 =	simm.s32 $0x100;
	[sflag:s17] =	ssyncadd.s32 $0xFFFFE000  }
0x25: {  	[tilespmem:s18], [sflag:$0x3] =	stream.indirect.gather [hbm4b:s4+s14], $0x40, s1, s14, $0xb8;
	[tilespmem:$0x1E900] =	vst v63  }
0x26: {  	s11 =	simm.s32 $0x2780  }
0x27: {  	[spmem:s2] =	stream.indirect.scatter.add.f32 [tilespmem:s15], [sflag:$0x4], $0x40, s11, s14, $0xb8;
	[tilespmem:$0x1E900] =	vst v63  }
0x28: {  	_ =	swait.ge [sflag:s19], $0x2000  }
0x29: {  	[sflag:s19] =	ssyncset.done $0x0  }
0x2a: {  	[sflag:s19] =	ssyncadd.s32 $0xFFFFE000  }
0x2b: {  	_ =	swait.ge [sflag:s20], $0x2000  }
0x2c: {  	[sflag:s20] =	ssyncset.done $0x0  }
0x2d: {  	s1 =	simm.s32 $0x180;
	[sflag:s20] =	ssyncadd.s32 $0xFFFFE000  }
0x2e: {  	[tilespmem:s15], [sflag:$0x1] =	stream.indirect.gather [hbm4b:s4+s14], $0x40, s1, s14, $0xb8;
	[tilespmem:$0x1E900] =	vst v63  }
0x2f: {  	s11 =	simm.s32 $0x2800  }
0x30: {  	[spmem:s2] =	stream.indirect.scatter.add.f32 [tilespmem:s16], [sflag:$0x5], $0x40, s11, s14, $0xb8;
	[tilespmem:$0x1E900] =	vst v63  }
0x31: {  	_ =	swait.ge [sflag:s21], $0x2000  }
0x32: {  	[sflag:s21] =	ssyncset.done $0x0  }
0x33: {  	[sflag:s21] =	ssyncadd.s32 $0xFFFFE000  }
0x34: {  	_ =	swait.ge [sflag:s22], $0x2000  }
0x35: {  	[sflag:s22] =	ssyncset.done $0x0  }
0x36: {  	s1 =	simm.s32 $0x200;
	[sflag:s22] =	ssyncadd.s32 $0xFFFFE000  }
0x37: {  	[tilespmem:s16], [sflag:$0x2] =	stream.indirect.gather [hbm4b:s4+s14], $0x40, s1, s14, $0xb8;
	[tilespmem:$0x1E900] =	vst v63  }
0x38: {  	s11 =	simm.s32 $0x2880  }
0x39: {  	[spmem:s2] =	stream.indirect.scatter.add.f32 [tilespmem:s18], [sflag:$0x6], $0x40, s11, s14, $0xb8;
	[tilespmem:$0x1E900] =	vst v63  }
0x3a: {  	_ =	swait.ge [sflag:s23], $0x2000  }
0x3b: {  	s0 =	simm.s32 $0x600;
	[sflag:s23] =	ssyncset.done $0x0  }
.LBB2_2:
0x3c: {  	p0 =	sne.s32 s0, $0x9000  }
0x3d: {  	[sflag:s23] =	ssyncadd.s32 $0xFFFFE000;
	s1 =	smov.u32 s0;
	s0 =	sadd.s32 $0x600, s0  }
0x3e: {  	_ = 	snop  }
0x3f: {  	_ =	swait.ge [sflag:s17], $0x2000  }
0x40: {  	s1 =	sshra.s32 s1, $0x2;
	[sflag:s17] =	ssyncset.done $0x0  }
0x41: {  	s11 =	sadd.s32 $0x100, s1;
	[sflag:s17] =	ssyncadd.s32 $0xFFFFE000  }
0x42: {  	[tilespmem:s18], [sflag:$0x3] =	stream.indirect.gather [hbm4b:s4+s14], $0x40, s11, s14, $0xb8;
	[tilespmem:$0x1E900] =	vst v63  }
0x43: {  	s11 =	sadd.s32 $0x2780, s1  }
0x44: {  	[spmem:s2] =	stream.indirect.scatter.add.f32 [tilespmem:s15], [sflag:$0x4], $0x40, s11, s14, $0xb8;
	[tilespmem:$0x1E900] =	vst v63  }
0x45: {  	_ =	swait.ge [sflag:s19], $0x2000  }
0x46: {  	[sflag:s19] =	ssyncset.done $0x0  }
0x47: {  	[sflag:s19] =	ssyncadd.s32 $0xFFFFE000  }
0x48: {  	_ =	swait.ge [sflag:s20], $0x2000  }
0x49: {  	[sflag:s20] =	ssyncset.done $0x0  }
0x4a: {  	s11 =	sadd.s32 $0x180, s1;
	[sflag:s20] =	ssyncadd.s32 $0xFFFFE000  }
0x4b: {  	[tilespmem:s15], [sflag:$0x1] =	stream.indirect.gather [hbm4b:s4+s14], $0x40, s11, s14, $0xb8;
	[tilespmem:$0x1E900] =	vst v63  }
0x4c: {  	s11 =	sadd.s32 $0x2800, s1  }
0x4d: {  	[spmem:s2] =	stream.indirect.scatter.add.f32 [tilespmem:s16], [sflag:$0x5], $0x40, s11, s14, $0xb8;
	[tilespmem:$0x1E900] =	vst v63  }
0x4e: {  	_ =	swait.ge [sflag:s21], $0x2000  }
0x4f: {  	[sflag:s21] =	ssyncset.done $0x0  }
0x50: {  	[sflag:s21] =	ssyncadd.s32 $0xFFFFE000  }
0x51: {  	_ =	swait.ge [sflag:s22], $0x2000  }
0x52: {  	[sflag:s22] =	ssyncset.done $0x0  }
0x53: {  	s11 =	sadd.s32 $0x200, s1;
	[sflag:s22] =	ssyncadd.s32 $0xFFFFE000  }
0x54: {  	[tilespmem:s16], [sflag:$0x2] =	stream.indirect.gather [hbm4b:s4+s14], $0x40, s11, s14, $0xb8;
	[tilespmem:$0x1E900] =	vst v63  }
.Ltmp0:
0x55: {  	_ = 	snop;
	(pc) =	sbr.rel @p0 .LBB2_2-.Ltmp0, $4  }
0x56: {  	s1 =	sadd.s32 $0x2880, s1  }
0x57: {  	[spmem:s2] =	stream.indirect.scatter.add.f32 [tilespmem:s18], [sflag:$0x6], $0x40, s1, s14, $0xb8;
	[tilespmem:$0x1E900] =	vst v63  }
0x58: {  	_ =	swait.ge [sflag:s23], $0x2000  }
0x59: {  	[sflag:s23] =	ssyncset.done $0x0  }
0x5a: {  	[sflag:s23] =	ssyncadd.s32 $0xFFFFE000  }
0x5b: {  	_ =	swait.ge [sflag:s17], $0x2000  }
0x5c: {  	[sflag:s17] =	ssyncset.done $0x0  }
0x5d: {  	[sflag:s17] =	ssyncadd.s32 $0xFFFFE000  }
0x5e: {  	[tilespmem:s18], [sflag:$0x3] =	stream.indirect.gather [hbm4b:s4+s14], $0x40, s24, s14, $0xb8;
	[tilespmem:$0x1E900] =	vst v63  }
0x5f: {  	_ = 	snop  }
0x60: {  	[spmem:s2] =	stream.indirect.scatter.add.f32 [tilespmem:s15], [sflag:$0x4], $0x40, s25, s14, $0xb8;
	[tilespmem:$0x1E900] =	vst v63  }
0x61: {  	_ =	swait.ge [sflag:s19], $0x2000  }
0x62: {  	[sflag:s19] =	ssyncset.done $0x0  }
0x63: {  	[sflag:s19] =	ssyncadd.s32 $0xFFFFE000  }
0x64: {  	_ =	swait.ge [sflag:s20], $0x2000  }
0x65: {  	[sflag:s20] =	ssyncset.done $0x0  }
0x66: {  	[sflag:s20] =	ssyncadd.s32 $0xFFFFE000  }
0x67: {  	[tilespmem:s15], [sflag:$0x1] =	stream.indirect.gather [hbm4b:s4+s14], $0x40, s26, s14, $0xb8;
	[tilespmem:$0x1E900] =	vst v63  }
0x68: {  	_ = 	snop  }
0x69: {  	[spmem:s2] =	stream.indirect.scatter.add.f32 [tilespmem:s16], [sflag:$0x5], $0x40, s28, s14, $0xb8;
	[tilespmem:$0x1E900] =	vst v63  }
0x6a: {  	_ =	swait.ge [sflag:s21], $0x2000  }
0x6b: {  	[sflag:s21] =	ssyncset.done $0x0  }
0x6c: {  	[sflag:s21] =	ssyncadd.s32 $0xFFFFE000  }
0x6d: {  	_ =	swait.ge [sflag:s22], $0x2000  }
0x6e: {  	[sflag:s22] =	ssyncset.done $0x0  }
0x6f: {  	[sflag:s22] =	ssyncadd.s32 $0xFFFFE000  }
0x70: {  	[spmem:s2] =	stream.indirect.scatter.add.f32 [tilespmem:s18], [sflag:$0x6], $0x40, s29, s14, $0xb8;
	[tilespmem:$0x1E900] =	vst v63  }
0x71: {  	_ =	swait.ge [sflag:s23], $0x2000  }
0x72: {  	[sflag:s23] =	ssyncset.done $0x0  }
0x73: {  	[sflag:s23] =	ssyncadd.s32 $0xFFFFE000  }
0x74: {  	_ =	swait.ge [sflag:s17], $0x2000  }
0x75: {  	[sflag:s17] =	ssyncset.done $0x0  }
0x76: {  	[sflag:s17] =	ssyncadd.s32 $0xFFFFE000  }
0x77: {  	[spmem:s2] =	stream.indirect.scatter.add.f32 [tilespmem:s15], [sflag:$0x7], $0x40, s30, s14, $0xb8;
	[tilespmem:$0x1E900] =	vst v63  }
0x78: {  	_ =	swait.ge [sflag:s10], $0x2000  }
0x79: {  	s31 =	sadd.s32 $0x1, s31;
	[sflag:s10] =	ssyncset.done $0x0  }
0x7a: {  	p0 =	sne.s32 s31, s9;
	[sflag:s10] =	ssyncadd.s32 $0xFFFFE000  }
.Ltmp1:
0x7b: {  	[bflag:$0x0] =	sbarrier.arrive $0xFFFF;
	(pc) =	sbr.rel @p0 .LBB2_1-.Ltmp1, $4  }
0x7c: {  	[hbm:s8], [sflag:s12] =	dma.local [spmem:s13], $0x2740  }
0x7d: {  	_ =	swait.ge [sflag:s10], $0x2740  }
0x7e: {  	[sflag:s10] =	ssyncset.done $0x0  }
0x7f: {  	[sflag:s10] =	ssyncadd.s32 $0xFFFFD8C0  }
0x80: {  	_ =	sfence.sel $0x180000  }
0x81: {  	[bflag:$0x0] =	sbarrier.arrive $0xFFFF  }
0x82: {  	_ =	strace $0x90000047  }
0x83: {  	s0 =	stileid.u32;
	[bflag:$0x2] =	sbarrier.arrive $0xFFFF  }
0x84: {  	p0 =	sne.s32 s0, $0x0;
	s0 =	rddreg [dreg:$0x2]  }
0x85: {  	s0 =	sadd.s32 @!p0 $0x100000, s0  }
0x86: {  	[sflag:s0] =	ssyncadd.tile.s32 @!p0 $0x1;
	_ =	shalt  }
.Lfunc_end2:
_tile_overlayer_lowered:
.L_overlay_start_2:
0x87: {  	(tag) =	ssettag $0x2  }
0x88: {  	s0 =	rddreg [dreg:$0x0];
	s2 =	stileid.u32  }
0x89: {  	s1 =	rddreg [dreg:$0x1];
	p0 =	sne.s32 s2, $0x0  }
0x8a: {  	s3 =	rddreg [dreg:$0x2];
	[bflag:$0x3] =	sbarrier.arrive $0xFFFF;
	s2 =	simm.s32 @!p0 $0x1C07  }
0x8b: {  	[timem:s3], [sflag:s2] =	dma.local @!p0 [hbm:s0], s1  }
0x8c: {  	s0 =	simm.s32 @!p0 $0x7  }
0x8d: {  	_ =	swait.ge @!p0 [sflag:s0], s1  }
0x8e: {  	s1 =	ssub.s32 @!p0 $0x0, s1;
	[sflag:s0] =	ssyncset.done @!p0 $0x0  }
0x8f: {  	[sflag:s0] =	ssyncadd.s32 @!p0 s1  }
0x90: {  	[bflag:$0x3] =	sbarrier.arrive $0xFFFF  }
0x91: {  	_ =	shalt  }

// kernel: kernel.15.cloned.1.call-start
scs
__scs_entry_jumppad:
0x0: {  	(pc) =	sbr.rel $0x88, $3  }
0x1: {  	(tag) =	ssettag $0x0;
	lr =	simm.s32 $0x1  }
0x2: {  	[smem:$0x3F8E] =	sst lr;
	_ =	strace $0xD0000000  }
0x3: {  	_ = 	snop  }
0x4: {  	_ = 	snop  }
0x5: {  	_ = 	snop  }
0x6: {  	_ = 	snop  }
0x7: {  	_ = 	snop  }
__scs_overlays_trampoline_lowered:
0x8: {  	[smem:$0x3F9D] =	sst s0  }
0x9: {  	[smem:$0x3F9E] =	sst s1  }
0xa: {  	[smem:$0x3F9F] =	sst s2  }
0xb: {  	[smem:$0x3FA0] =	sst s3  }
0xc: {  	[smem:$0x3FA1] =	sst s4  }
0xd: {  	[smem:$0x3FA2] =	sst s5  }
0xe: {  	[smem:$0x3FA3] =	sst s6  }
0xf: {  	[smem:$0x3FA4] =	sst s7  }
0x10: {  	[smem:$0x3FA5] =	sst s8  }
0x11: {  	[smem:$0x3FA6] =	sst s9;
	s0 =	simm.s32 @!p0 $0x0  }
0x12: {  	s1 =	sld [smem:$0x3F8C];
	s0 =	simm.s32 @p0 $0x1  }
0x13: {  	[smem:$0x3FA7] =	sst s0;
	s0 =	simm.s32 @!p1 $0x0  }
0x14: {  	s2 =	sld [smem:$0x3F8B];
	s0 =	simm.s32 @p1 $0x1  }
0x15: {  	[smem:$0x3FA8] =	sst s0;
	s0 =	simm.s32 @!p2 $0x0  }
0x16: {  	s3 =	sld [smem:$0x3FDB];
	s0 =	simm.s32 @p2 $0x1  }
0x17: {  	s4 =	simm.s32 $0x1BF5;
	[smem:$0x3FAA] =	sst s0  }
0x18: {  	s0 =	sld [smem:$0x3F8D];
	_ =	swait.ge [sflag:s4], $0x0  }
0x19: {  	s7 =	sld [smem:$0x3F8E]  }
0x1a: {  	s8 =	sadd.s32 $0xFFFFE003, lr  }
0x1b: {  	s9 =	sadd.s32 $0xFFFFFEF7, lr;
	s5 =	simm.s32 $0xFFFFFFFF;
	p2 =	slt.u32 s8, $0xFFFFF086  }
0x1c: {  	p1 =	slt.u32 s9, $0xF7A;
	s5 =	simm.s32 @!p2 $0x0  }
0x1d: {  	s5 =	simm.s32 @p1 $0x1;
	p0 =	seq.s32 s7, s2  }
0x1e: {  	s7 =	smul.u32 @!p0 $0xF7A, s2;
	p2 =	seq.s32 @!p0 s5, $0x0  }
0x1f: {  	s9 =	smul.u32 $0xF7A, s1;
	s8 =	simm.s32 @!p0 $0x1BF5;
	p2 =	por !p2, p0  }
0x20: {  	[sflag:s8] =	ssyncset.s32 @!p0 $0xFFFFF086;
	s6 =	sadd.s32 @!p0 s3, s7;
	s7 =	simm.s32 @!p0 $0x108  }
0x21: {  	s3 =	sadd.s32 s3, s9;
	s6 =	sadd.s32 @!p0 $0x88, s6;
	s7 =	simm.s32 @p2 $0x1082  }
0x22: {  	[simem:s7], [sflag:s8] =	dma.local @!p0 [hbm:s6], $0xF7A  }
0x23: {  	s9 =	sor.u32 $0xD0000000, s2;
	s6 =	simm.s32 $0x108;
	_ =	swait.ge @!p0 [sflag:s8], $0x0  }
0x24: {  	s3 =	sadd.s32 $0x88, s3;
	s6 =	simm.s32 @!p1 $0x1082;
	[sflag:s4] =	ssyncset.s32 $0xFFFFF086  }
0x25: {  	[simem:s6], [sflag:s4] =	dma.local [hbm:s3], $0xF7A  }
0x26: {  	[smem:$0x3F8E] =	sst s1;
	(tag) =	ssettag s2;
	_ =	strace s9  }
0x27: {  	s1 =	sld [smem:$0x3F9E]  }
0x28: {  	s2 =	sld [smem:$0x3F9F]  }
0x29: {  	s4 =	sld [smem:$0x3FA1]  }
0x2a: {  	p0 =	seq.s32 s5, $0x0;
	s5 =	sld [smem:$0x3FA2]  }
0x2b: {  	s6 =	sld [smem:$0x3FA3]  }
0x2c: {  	s7 =	sld [smem:$0x3FA4]  }
0x2d: {  	s3 =	simm.s32 $0x108;
	s8 =	sld [smem:$0x3FA5]  }
0x2e: {  	s3 =	simm.s32 @!p0 $0x1082;
	s9 =	sld [smem:$0x3FA6]  }
0x2f: {  	lr =	sadd.s32 s0, s3;
	s0 =	sld [smem:$0x3F9D]  }
0x30: {  	s3 =	sld [smem:$0x3FA0]  }
0x31: {  	[smem:$0x3FA9] =	sst s10  }
0x32: {  	s10 =	sld [smem:$0x3FA7];
	_ =	sdelay $0x3  }
0x33: {  	p0 =	seq.s32 s10, $0x1;
	s10 =	sld [smem:$0x3FA9];
	_ =	sdelay $0x3  }
0x34: {  	[smem:$0x3FA9] =	sst s10  }
0x35: {  	s10 =	sld [smem:$0x3FA8];
	_ =	sdelay $0x3  }
0x36: {  	p1 =	seq.s32 s10, $0x1;
	s10 =	sld [smem:$0x3FA9];
	_ =	sdelay $0x3  }
0x37: {  	[smem:$0x3FA9] =	sst s10  }
0x38: {  	s10 =	sld [smem:$0x3FAA]  }
0x39: {  	_ = 	snop;
	(pc) =	sbr.ind lr, $3  }
0x3a: {  	_ = 	snop  }
0x3b: {  	_ = 	snop  }
0x3c: {  	p2 =	seq.s32 s10, $0x1;
	s10 =	sld [smem:$0x3FA9]  }
0x3d: {  	_ =	shalt  }
0x3e: {  	_ =	shalt  }
0x3f: {  	_ =	shalt  }
0x40: {  	_ =	shalt  }
0x41: {  	_ =	shalt  }
0x42: {  	_ =	shalt  }
0x43: {  	_ =	shalt  }
0x44: {  	_ =	shalt  }
0x45: {  	_ =	shalt  }
0x46: {  	_ =	shalt  }
0x47: {  	_ =	shalt  }
0x48: {  	_ =	shalt  }
0x49: {  	_ =	shalt  }
0x4a: {  	_ =	shalt  }
0x4b: {  	_ =	shalt  }
0x4c: {  	_ =	shalt  }
0x4d: {  	_ =	shalt  }
0x4e: {  	_ =	shalt  }
0x4f: {  	_ =	shalt  }
0x50: {  	_ =	shalt  }
0x51: {  	_ =	shalt  }
0x52: {  	_ =	shalt  }
0x53: {  	_ =	shalt  }
0x54: {  	_ =	shalt  }
0x55: {  	_ =	shalt  }
0x56: {  	_ =	shalt  }
0x57: {  	_ =	shalt  }
0x58: {  	_ =	shalt  }
0x59: {  	_ =	shalt  }
0x5a: {  	_ =	shalt  }
0x5b: {  	_ =	shalt  }
0x5c: {  	_ =	shalt  }
0x5d: {  	_ =	shalt  }
0x5e: {  	_ =	shalt  }
0x5f: {  	_ =	shalt  }
0x60: {  	_ =	shalt  }
0x61: {  	_ =	shalt  }
0x62: {  	_ =	shalt  }
0x63: {  	_ =	shalt  }
0x64: {  	_ =	shalt  }
0x65: {  	_ =	shalt  }
0x66: {  	_ =	shalt  }
0x67: {  	_ =	shalt  }
0x68: {  	_ =	shalt  }
0x69: {  	_ =	shalt  }
0x6a: {  	_ =	shalt  }
0x6b: {  	_ =	shalt  }
0x6c: {  	_ =	shalt  }
0x6d: {  	_ =	shalt  }
0x6e: {  	_ =	shalt  }
0x6f: {  	_ =	shalt  }
0x70: {  	_ =	shalt  }
0x71: {  	_ =	shalt  }
0x72: {  	_ =	shalt  }
0x73: {  	_ =	shalt  }
0x74: {  	_ =	shalt  }
0x75: {  	_ =	shalt  }
0x76: {  	_ =	shalt  }
0x77: {  	_ =	shalt  }
0x78: {  	_ =	shalt  }
0x79: {  	_ =	shalt  }
0x7a: {  	_ =	shalt  }
0x7b: {  	_ =	shalt  }
0x7c: {  	_ =	shalt  }
0x7d: {  	_ =	shalt  }
0x7e: {  	_ =	shalt  }
0x7f: {  	_ =	shalt  }
0x80: {  	_ =	shalt  }
0x81: {  	_ =	shalt  }
0x82: {  	_ =	shalt  }
0x83: {  	_ =	shalt  }
0x84: {  	_ =	shalt  }
0x85: {  	_ =	shalt  }
0x86: {  	_ =	shalt  }
0x87: {  	_ =	shalt  }
.Lfunc_end0:
.L_simem_size_0:
called_computation.2_lowered:
.L_overlay_start_0:
0x88: {  	s2 =	sld [smem:$0x3FD9]  }
0x89: {  	s3 =	sld [smem:$0x3FFE];
	_ =	sdelay $0x1  }
0x8a: {  	s1 =	srdreg.scid  }
0x8b: {  	s0 =	sand.u32 $0x1, s1  }
0x8c: {  	s16 =	sshll.u32 s0, $0xA;
	s2 =	sadd.s32 s3, s2  }
0x8d: {  	s2 =	sadd.s32 s2, s16  }
0x8e: {  	[smem:$0x3FB5] =	sst s2  }
0x8f: {  	_ = 	snop  }
0x90: {  	(tm) =	ssettm $0x1  }
0x91: {  	s17 =	sld [smem:$0x3FFB];
	_ =	sdelay $0x3  }
0x92: {  	_ =	strace s17  }
0x93: {  	s2 =	sld [smem:$0x3FFC];
	_ =	sdelay $0x3  }
0x94: {  	_ =	strace s2  }
0x95: {  	s2 =	sld [smem:$0x3FFD];
	_ =	sdelay $0x3  }
0x96: {  	_ =	strace s2  }
0x97: {  	_ =	strace $0x8FFFFFFF  }
0x98: {  	s18 =	sld [smem:$0x3FDB];
	_ =	sdelay $0x1  }
0x99: {  	s19 =	simm.s32 $_scs_section_size  }
0x9a: {  	s4 =	simm.s32 $_size__tile_overlayer_lowered;
	s5 =	simm.s32 $_tile_overlayer_lowered  }
0x9b: {  	s22 =	simm.s32 $0x1BFF;
	s21 =	sshll.u32 s5, $0x1;
	s2 =	sadd.s32 s19, s18  }
0x9c: {  	s6 =	simm.s32 $0x0;
	s20 =	sshll.u32 s4, $0x1;
	s4 =	sadd.s32 s21, s2  }
0x9d: {  	[timem:s6], [sflag:s22] =	dma.local [hbm:s4], s20  }
0x9e: {  	_ =	swait.ge [sflag:s22], s20  }
0x9f: {  	s3 =	ssub.s32 $0x0, s20;
	[sflag:s22] =	ssyncset.done $0x0  }
0xa0: {  	[sflag:s22] =	ssyncadd.s32 s3;
	_ =	sdelay $0x1  }
0xa1: {  	s23 =	simm.s32 $0x1B8B  }
0xa2: {  	_ =	swait.ge [sflag:s23], $0x1  }
0xa3: {  	[sflag:s23] =	ssyncset.done $0x0  }
0xa4: {  	s25 =	simm.s32 $0x1B8E;
	s24 =	sld [smem:$0x3FFE];
	[sflag:s23] =	ssyncadd.s32 $0xFFFFFFFF  }
0xa5: {  	s26 =	simm.s32 $execute0_lowered;
	[smem:$0x3FD2] =	sst s25  }
0xa6: {  	s4 =	sshll.u32 s26, $0x1;
	_ =	strace $0x8000004C;
	[dreg:$0x1] =	wrdreg $0xFFFFFFFF  }
0xa7: {  	s28 =	simm.s32 $_size_execute0_lowered;
	s2 =	sadd.s32 s2, s4;
	[dreg:$0x0] =	wrdreg $0x0  }
0xa8: {  	s4 =	sshll.u32 s28, $0x1;
	[dreg:$0x2] =	wrdreg s2  }
0xa9: {  	[dreg:$0x3] =	wrdreg s4  }
0xaa: {  	[dreg:$0x4] =	wrdreg $0xC0  }
0xab: {  	_ =	task [dreg:s6], $0x5FFFF  }
0xac: {  	[dreg:$0x1] =	wrdreg $0xFFFFFFFF  }
0xad: {  	[dreg:$0x0] =	wrdreg $0x60  }
0xae: {  	[dreg:$0x2] =	wrdreg s24  }
0xaf: {  	[dreg:$0x3] =	wrdreg $0xAF000  }
0xb0: {  	[dreg:$0x4] =	wrdreg $0x9  }
0xb1: {  	_ =	task.clear_ibuf [dreg:s6], $0x5FFFF;
	_ =	strace $0x9000004C  }
0xb2: {  	s29 =	simm.s32 $0x9;
	_ =	strace $0x8000004E  }
0xb3: {  	_ =	swait.ge [sflag:s29], $0x1  }
0xb4: {  	[sflag:s29] =	ssyncadd.s32 $0xFFFFFFFF  }
0xb5: {  	_ =	strace $0x9000004E  }
0xb6: {  	_ =	sfence  }
0xb7: {  	s30 =	sld [smem:$0x0];
	_ =	sdelay $0x2  }
0xb8: {  	s31 =	sshll.u32 s1, $0xD;
	s1 =	sshrl.u32 s1, $0x2  }
0xb9: {  	s3 =	sand.u32 $0x4000, s31;
	s1 =	sadd.s32 s1, s30  }
0xba: {  	s0 =	sor.u32 s3, s0;
	s1 =	sshll.u32 s1, $0x11  }
0xbb: {  	s0 =	sor.u32 s1, s0  }
0xbc: {  	s0 =	sadd.s32 $0x8F2B, s0  }
0xbd: {  	[sflag:s0] =	ssyncadd.remote.s32 $0x1  }
0xbe: {  	_ =	sfence.sel $0xFFFF  }
0xbf: {  	[dreg:$0x0] =	wrdreg $0xFFFFFFFF;
	(pc) =	sbr.abs _section_cstart, $3  }
0xc0: {  	[dreg:$0x1] =	wrdreg $0xFFFFFFFF  }
0xc1: {  	_ =	task.clear_ibuf [dreg:s6], $0x2FFFF;
	_ =	strace $0x9FFFFFFF  }
0xc2: {  	(tm) =	ssettm $0x7FFFFFFF  }
0xc3: {  	_ =	shalt  }
tec
execute0_lowered:
.L_overlay_start_1:
0x0: {  	(tag) =	ssettag $0x1  }
0x1: {  	s0 =	rddreg [dreg:$0x0]  }
0x2: {  	s2 =	rddreg [dreg:$0x1];
	s3 =	srdreg.scid  }
0x3: {  	s1 =	stileid.u32;
	s14 =	simm.s32 $0x80;
	s15 =	simm.s32 $0x4F00  }
0x4: {  	s16 =	simm.s32 $0x6F00;
	s17 =	simm.s32 $0x1;
	s18 =	simm.s32 $0x8F00  }
0x5: {  	s19 =	simm.s32 $0x2;
	s20 =	simm.s32 $0x4;
	s21 =	simm.s32 $0x3  }
0x6: {  	s22 =	simm.s32 $0x5;
	s23 =	simm.s32 $0x6;
	s24 =	simm.s32 $0x2680  }
0x7: {  	s25 =	simm.s32 $0x4D00;
	s28 =	simm.s32 $0x4D80;
	s29 =	simm.s32 $0x4E00  }
0x8: {  	s30 =	simm.s32 $0x4E80;
	s31 =	simm.s32 $0x0;
	s5 =	sand.u32 $0x1, s3  }
0x9: {  	s3 =	simm.s32 $0x0;
	s8 =	smul.u32 $0x13A00, s1;
	s26 =	sshll.u32 s1, $0x6  }
0xa: {  	s4 =	sshll.u32 s5, $0x4;
	[smem:$0x7FF] =	sst s3;
	s6 =	smul.u32 $0x13A000, s5  }
0xb: {  	s9 =	ssub.s32 $0x2, s5;
	s5 =	sadd.s32 $0x14600, s0;
	s12 =	sor.u32 $0x1C07, s26  }
0xc: {  	s26 =	simm.s32 $0x2700;
	s4 =	sor.u32 s1, s4;
	_ =	strace $0x8000004D  }
0xd: {  	s10 =	sshrl.u32 s9, $0x1;
	s13 =	sadd.s32 s8, s2;
	s7 =	smul.u32 $0x4F0, s4  }
0xe: {  	s4 =	sadd.s32 $0xB3200, s0;
	s6 =	sadd.s32 s8, s6;
	s9 =	ssub.s32 s9, s10  }
0xf: {  	s10 =	simm.s32 $0x7;
	s13 =	sshrl.u32 s13, $0x3;
	s6 =	sshrl.u32 s6, $0x3  }
0x10: {  	s9 =	smax.u32 s9, $0x1;
	s7 =	sadd.s32 s7, s0;
	s0 =	sadd.s32 s6, s0  }
0x11: {  	s6 =	sadd.s32 $0xA800, s7;
	s7 =	sadd.s32 $0xA00, s7;
	s8 =	sadd.s32 $0xEDC00, s0  }
.LBB2_1:
0x12: {  	[tilespmem:s3], [sflag:$0x7] =	stream.linear.gather [hbm4b:s6+s3], $0x2780, $0x38;
	[tilespmem:$0x1E900] =	vst v63  }
0x13: {  	_ =	swait.ge [sflag:s10], $0x2780  }
0x14: {  	[sflag:s10] =	ssyncset.done $0x0  }
0x15: {  	s0 =	simm.s32 $0x2780;
	[sflag:s10] =	ssyncadd.s32 $0xFFFFD880  }
0x16: {  	[tilespmem:s0], [sflag:$0x7] =	stream.linear.gather [hbm4b:s7+s3], $0x2780, $0x38;
	[tilespmem:$0x1E900] =	vst v63  }
0x17: {  	_ =	swait.ge [sflag:s10], $0x2780  }
0x18: {  	[sflag:s10] =	ssyncset.done $0x0  }
0x19: {  	[sflag:s10] =	ssyncadd.s32 $0xFFFFD880  }
0x1a: {  	[spmem:s13], [sflag:s12] =	dma.local [hbm:s5], $0x2740  }
0x1b: {  	_ =	swait.ge [sflag:s10], $0x2740  }
0x1c: {  	[sflag:s10] =	ssyncset.done $0x0  }
0x1d: {  	[sflag:s10] =	ssyncadd.s32 $0xFFFFD8C0  }
0x1e: {  	[bflag:$0x0] =	sbarrier.arrive $0xFFFF  }
0x1f: {  	[tilespmem:s15], [sflag:$0x1] =	stream.indirect.gather [hbm4b:s4+s14], $0x40, s3, s14, $0xb8;
	[tilespmem:$0x1E900] =	vst v63  }
0x20: {  	_ = 	snop  }
0x21: {  	[tilespmem:s16], [sflag:$0x2] =	stream.indirect.gather [hbm4b:s4+s14], $0x40, s14, s14, $0xb8;
	[tilespmem:$0x1E900] =	vst v63  }
0x22: {  	_ =	swait.ge [sflag:s17], $0x2000  }
0x23: {  	[sflag:s17] =	ssyncset.done $0x0  }
0x24: {  	s1 =	simm.s32 $0x100;
	[sflag:s17] =	ssyncadd.s32 $0xFFFFE000  }
0x25: {  	[tilespmem:s18], [sflag:$0x3] =	stream.indirect.gather [hbm4b:s4+s14], $0x40, s1, s14, $0xb8;
	[tilespmem:$0x1E900] =	vst v63  }
0x26: {  	s11 =	simm.s32 $0x2780  }
0x27: {  	[spmem:s2] =	stream.indirect.scatter.add.f32 [tilespmem:s15], [sflag:$0x4], $0x40, s11, s14, $0xb8;
	[tilespmem:$0x1E900] =	vst v63  }
0x28: {  	_ =	swait.ge [sflag:s19], $0x2000  }
0x29: {  	[sflag:s19] =	ssyncset.done $0x0  }
0x2a: {  	[sflag:s19] =	ssyncadd.s32 $0xFFFFE000  }
0x2b: {  	_ =	swait.ge [sflag:s20], $0x2000  }
0x2c: {  	[sflag:s20] =	ssyncset.done $0x0  }
0x2d: {  	s1 =	simm.s32 $0x180;
	[sflag:s20] =	ssyncadd.s32 $0xFFFFE000  }
0x2e: {  	[tilespmem:s15], [sflag:$0x1] =	stream.indirect.gather [hbm4b:s4+s14], $0x40, s1, s14, $0xb8;
	[tilespmem:$0x1E900] =	vst v63  }
0x2f: {  	s11 =	simm.s32 $0x2800  }
0x30: {  	[spmem:s2] =	stream.indirect.scatter.add.f32 [tilespmem:s16], [sflag:$0x5], $0x40, s11, s14, $0xb8;
	[tilespmem:$0x1E900] =	vst v63  }
0x31: {  	_ =	swait.ge [sflag:s21], $0x2000  }
0x32: {  	[sflag:s21] =	ssyncset.done $0x0  }
0x33: {  	[sflag:s21] =	ssyncadd.s32 $0xFFFFE000  }
0x34: {  	_ =	swait.ge [sflag:s22], $0x2000  }
0x35: {  	[sflag:s22] =	ssyncset.done $0x0  }
0x36: {  	s1 =	simm.s32 $0x200;
	[sflag:s22] =	ssyncadd.s32 $0xFFFFE000  }
0x37: {  	[tilespmem:s16], [sflag:$0x2] =	stream.indirect.gather [hbm4b:s4+s14], $0x40, s1, s14, $0xb8;
	[tilespmem:$0x1E900] =	vst v63  }
0x38: {  	s11 =	simm.s32 $0x2880  }
0x39: {  	[spmem:s2] =	stream.indirect.scatter.add.f32 [tilespmem:s18], [sflag:$0x6], $0x40, s11, s14, $0xb8;
	[tilespmem:$0x1E900] =	vst v63  }
0x3a: {  	_ =	swait.ge [sflag:s23], $0x2000  }
0x3b: {  	s0 =	simm.s32 $0x600;
	[sflag:s23] =	ssyncset.done $0x0  }
.LBB2_2:
0x3c: {  	p0 =	sne.s32 s0, $0x9000  }
0x3d: {  	[sflag:s23] =	ssyncadd.s32 $0xFFFFE000;
	s1 =	smov.u32 s0;
	s0 =	sadd.s32 $0x600, s0  }
0x3e: {  	_ = 	snop  }
0x3f: {  	_ =	swait.ge [sflag:s17], $0x2000  }
0x40: {  	s1 =	sshra.s32 s1, $0x2;
	[sflag:s17] =	ssyncset.done $0x0  }
0x41: {  	s11 =	sadd.s32 $0x100, s1;
	[sflag:s17] =	ssyncadd.s32 $0xFFFFE000  }
0x42: {  	[tilespmem:s18], [sflag:$0x3] =	stream.indirect.gather [hbm4b:s4+s14], $0x40, s11, s14, $0xb8;
	[tilespmem:$0x1E900] =	vst v63  }
0x43: {  	s11 =	sadd.s32 $0x2780, s1  }
0x44: {  	[spmem:s2] =	stream.indirect.scatter.add.f32 [tilespmem:s15], [sflag:$0x4], $0x40, s11, s14, $0xb8;
	[tilespmem:$0x1E900] =	vst v63  }
0x45: {  	_ =	swait.ge [sflag:s19], $0x2000  }
0x46: {  	[sflag:s19] =	ssyncset.done $0x0  }
0x47: {  	[sflag:s19] =	ssyncadd.s32 $0xFFFFE000  }
0x48: {  	_ =	swait.ge [sflag:s20], $0x2000  }
0x49: {  	[sflag:s20] =	ssyncset.done $0x0  }
0x4a: {  	s11 =	sadd.s32 $0x180, s1;
	[sflag:s20] =	ssyncadd.s32 $0xFFFFE000  }
0x4b: {  	[tilespmem:s15], [sflag:$0x1] =	stream.indirect.gather [hbm4b:s4+s14], $0x40, s11, s14, $0xb8;
	[tilespmem:$0x1E900] =	vst v63  }
0x4c: {  	s11 =	sadd.s32 $0x2800, s1  }
0x4d: {  	[spmem:s2] =	stream.indirect.scatter.add.f32 [tilespmem:s16], [sflag:$0x5], $0x40, s11, s14, $0xb8;
	[tilespmem:$0x1E900] =	vst v63  }
0x4e: {  	_ =	swait.ge [sflag:s21], $0x2000  }
0x4f: {  	[sflag:s21] =	ssyncset.done $0x0  }
0x50: {  	[sflag:s21] =	ssyncadd.s32 $0xFFFFE000  }
0x51: {  	_ =	swait.ge [sflag:s22], $0x2000  }
0x52: {  	[sflag:s22] =	ssyncset.done $0x0  }
0x53: {  	s11 =	sadd.s32 $0x200, s1;
	[sflag:s22] =	ssyncadd.s32 $0xFFFFE000  }
0x54: {  	[tilespmem:s16], [sflag:$0x2] =	stream.indirect.gather [hbm4b:s4+s14], $0x40, s11, s14, $0xb8;
	[tilespmem:$0x1E900] =	vst v63  }
.Ltmp0:
0x55: {  	_ = 	snop;
	(pc) =	sbr.rel @p0 .LBB2_2-.Ltmp0, $4  }
0x56: {  	s1 =	sadd.s32 $0x2880, s1  }
0x57: {  	[spmem:s2] =	stream.indirect.scatter.add.f32 [tilespmem:s18], [sflag:$0x6], $0x40, s1, s14, $0xb8;
	[tilespmem:$0x1E900] =	vst v63  }
0x58: {  	_ =	swait.ge [sflag:s23], $0x2000  }
0x59: {  	[sflag:s23] =	ssyncset.done $0x0  }
0x5a: {  	[sflag:s23] =	ssyncadd.s32 $0xFFFFE000  }
0x5b: {  	_ =	swait.ge [sflag:s17], $0x2000  }
0x5c: {  	[sflag:s17] =	ssyncset.done $0x0  }
0x5d: {  	[sflag:s17] =	ssyncadd.s32 $0xFFFFE000  }
0x5e: {  	[tilespmem:s18], [sflag:$0x3] =	stream.indirect.gather [hbm4b:s4+s14], $0x40, s24, s14, $0xb8;
	[tilespmem:$0x1E900] =	vst v63  }
0x5f: {  	_ = 	snop  }
0x60: {  	[spmem:s2] =	stream.indirect.scatter.add.f32 [tilespmem:s15], [sflag:$0x4], $0x40, s25, s14, $0xb8;
	[tilespmem:$0x1E900] =	vst v63  }
0x61: {  	_ =	swait.ge [sflag:s19], $0x2000  }
0x62: {  	[sflag:s19] =	ssyncset.done $0x0  }
0x63: {  	[sflag:s19] =	ssyncadd.s32 $0xFFFFE000  }
0x64: {  	_ =	swait.ge [sflag:s20], $0x2000  }
0x65: {  	[sflag:s20] =	ssyncset.done $0x0  }
0x66: {  	[sflag:s20] =	ssyncadd.s32 $0xFFFFE000  }
0x67: {  	[tilespmem:s15], [sflag:$0x1] =	stream.indirect.gather [hbm4b:s4+s14], $0x40, s26, s14, $0xb8;
	[tilespmem:$0x1E900] =	vst v63  }
0x68: {  	_ = 	snop  }
0x69: {  	[spmem:s2] =	stream.indirect.scatter.add.f32 [tilespmem:s16], [sflag:$0x5], $0x40, s28, s14, $0xb8;
	[tilespmem:$0x1E900] =	vst v63  }
0x6a: {  	_ =	swait.ge [sflag:s21], $0x2000  }
0x6b: {  	[sflag:s21] =	ssyncset.done $0x0  }
0x6c: {  	[sflag:s21] =	ssyncadd.s32 $0xFFFFE000  }
0x6d: {  	_ =	swait.ge [sflag:s22], $0x2000  }
0x6e: {  	[sflag:s22] =	ssyncset.done $0x0  }
0x6f: {  	[sflag:s22] =	ssyncadd.s32 $0xFFFFE000  }
0x70: {  	[spmem:s2] =	stream.indirect.scatter.add.f32 [tilespmem:s18], [sflag:$0x6], $0x40, s29, s14, $0xb8;
	[tilespmem:$0x1E900] =	vst v63  }
0x71: {  	_ =	swait.ge [sflag:s23], $0x2000  }
0x72: {  	[sflag:s23] =	ssyncset.done $0x0  }
0x73: {  	[sflag:s23] =	ssyncadd.s32 $0xFFFFE000  }
0x74: {  	_ =	swait.ge [sflag:s17], $0x2000  }
0x75: {  	[sflag:s17] =	ssyncset.done $0x0  }
0x76: {  	[sflag:s17] =	ssyncadd.s32 $0xFFFFE000  }
0x77: {  	[spmem:s2] =	stream.indirect.scatter.add.f32 [tilespmem:s15], [sflag:$0x7], $0x40, s30, s14, $0xb8;
	[tilespmem:$0x1E900] =	vst v63  }
0x78: {  	_ =	swait.ge [sflag:s10], $0x2000  }
0x79: {  	s31 =	sadd.s32 $0x1, s31;
	[sflag:s10] =	ssyncset.done $0x0  }
0x7a: {  	p0 =	sne.s32 s31, s9;
	[sflag:s10] =	ssyncadd.s32 $0xFFFFE000  }
.Ltmp1:
0x7b: {  	[bflag:$0x0] =	sbarrier.arrive $0xFFFF;
	(pc) =	sbr.rel @p0 .LBB2_1-.Ltmp1, $4  }
0x7c: {  	[hbm:s8], [sflag:s12] =	dma.local [spmem:s13], $0x2740  }
0x7d: {  	_ =	swait.ge [sflag:s10], $0x2740  }
0x7e: {  	[sflag:s10] =	ssyncset.done $0x0  }
0x7f: {  	[sflag:s10] =	ssyncadd.s32 $0xFFFFD8C0  }
0x80: {  	_ =	sfence.sel $0x180000  }
0x81: {  	[bflag:$0x0] =	sbarrier.arrive $0xFFFF  }
0x82: {  	_ =	strace $0x9000004D  }
0x83: {  	s0 =	stileid.u32;
	[bflag:$0x2] =	sbarrier.arrive $0xFFFF  }
0x84: {  	p0 =	sne.s32 s0, $0x0;
	s0 =	rddreg [dreg:$0x2]  }
0x85: {  	s0 =	sadd.s32 @!p0 $0x100000, s0  }
0x86: {  	[sflag:s0] =	ssyncadd.tile.s32 @!p0 $0x1;
	_ =	shalt  }
.Lfunc_end2:
_tile_overlayer_lowered:
.L_overlay_start_2:
0x87: {  	(tag) =	ssettag $0x2  }
0x88: {  	s0 =	rddreg [dreg:$0x0];
	s2 =	stileid.u32  }
0x89: {  	s1 =	rddreg [dreg:$0x1];
	p0 =	sne.s32 s2, $0x0  }
0x8a: {  	s3 =	rddreg [dreg:$0x2];
	[bflag:$0x3] =	sbarrier.arrive $0xFFFF;
	s2 =	simm.s32 @!p0 $0x1C07  }
0x8b: {  	[timem:s3], [sflag:s2] =	dma.local @!p0 [hbm:s0], s1  }
0x8c: {  	s0 =	simm.s32 @!p0 $0x7  }
0x8d: {  	_ =	swait.ge @!p0 [sflag:s0], s1  }
0x8e: {  	s1 =	ssub.s32 @!p0 $0x0, s1;
	[sflag:s0] =	ssyncset.done @!p0 $0x0  }
0x8f: {  	[sflag:s0] =	ssyncadd.s32 @!p0 s1  }
0x90: {  	[bflag:$0x3] =	sbarrier.arrive $0xFFFF  }
0x91: {  	_ =	shalt  }

// kernel: kernel.9.cloned.1.call-start
scs
__scs_entry_jumppad:
0x0: {  	(pc) =	sbr.rel $0x88, $3  }
0x1: {  	(tag) =	ssettag $0x0;
	lr =	simm.s32 $0x1  }
0x2: {  	[smem:$0x3F8E] =	sst lr;
	_ =	strace $0xD0000000  }
0x3: {  	_ = 	snop  }
0x4: {  	_ = 	snop  }
0x5: {  	_ = 	snop  }
0x6: {  	_ = 	snop  }
0x7: {  	_ = 	snop  }
__scs_overlays_trampoline_lowered:
0x8: {  	[smem:$0x3F9D] =	sst s0  }
0x9: {  	[smem:$0x3F9E] =	sst s1  }
0xa: {  	[smem:$0x3F9F] =	sst s2  }
0xb: {  	[smem:$0x3FA0] =	sst s3  }
0xc: {  	[smem:$0x3FA1] =	sst s4  }
0xd: {  	[smem:$0x3FA2] =	sst s5  }
0xe: {  	[smem:$0x3FA3] =	sst s6  }
0xf: {  	[smem:$0x3FA4] =	sst s7  }
0x10: {  	[smem:$0x3FA5] =	sst s8  }
0x11: {  	[smem:$0x3FA6] =	sst s9;
	s0 =	simm.s32 @!p0 $0x0  }
0x12: {  	s1 =	sld [smem:$0x3F8C];
	s0 =	simm.s32 @p0 $0x1  }
0x13: {  	[smem:$0x3FA7] =	sst s0;
	s0 =	simm.s32 @!p1 $0x0  }
0x14: {  	s2 =	sld [smem:$0x3F8B];
	s0 =	simm.s32 @p1 $0x1  }
0x15: {  	[smem:$0x3FA8] =	sst s0;
	s0 =	simm.s32 @!p2 $0x0  }
0x16: {  	s3 =	sld [smem:$0x3FDB];
	s0 =	simm.s32 @p2 $0x1  }
0x17: {  	s4 =	simm.s32 $0x1BF5;
	[smem:$0x3FAA] =	sst s0  }
0x18: {  	s0 =	sld [smem:$0x3F8D];
	_ =	swait.ge [sflag:s4], $0x0  }
0x19: {  	s7 =	sld [smem:$0x3F8E]  }
0x1a: {  	s8 =	sadd.s32 $0xFFFFE003, lr  }
0x1b: {  	s9 =	sadd.s32 $0xFFFFFEF7, lr;
	s5 =	simm.s32 $0xFFFFFFFF;
	p2 =	slt.u32 s8, $0xFFFFF086  }
0x1c: {  	p1 =	slt.u32 s9, $0xF7A;
	s5 =	simm.s32 @!p2 $0x0  }
0x1d: {  	s5 =	simm.s32 @p1 $0x1;
	p0 =	seq.s32 s7, s2  }
0x1e: {  	s7 =	smul.u32 @!p0 $0xF7A, s2;
	p2 =	seq.s32 @!p0 s5, $0x0  }
0x1f: {  	s9 =	smul.u32 $0xF7A, s1;
	s8 =	simm.s32 @!p0 $0x1BF5;
	p2 =	por !p2, p0  }
0x20: {  	[sflag:s8] =	ssyncset.s32 @!p0 $0xFFFFF086;
	s6 =	sadd.s32 @!p0 s3, s7;
	s7 =	simm.s32 @!p0 $0x108  }
0x21: {  	s3 =	sadd.s32 s3, s9;
	s6 =	sadd.s32 @!p0 $0x88, s6;
	s7 =	simm.s32 @p2 $0x1082  }
0x22: {  	[simem:s7], [sflag:s8] =	dma.local @!p0 [hbm:s6], $0xF7A  }
0x23: {  	s9 =	sor.u32 $0xD0000000, s2;
	s6 =	simm.s32 $0x108;
	_ =	swait.ge @!p0 [sflag:s8], $0x0  }
0x24: {  	s3 =	sadd.s32 $0x88, s3;
	s6 =	simm.s32 @!p1 $0x1082;
	[sflag:s4] =	ssyncset.s32 $0xFFFFF086  }
0x25: {  	[simem:s6], [sflag:s4] =	dma.local [hbm:s3], $0xF7A  }
0x26: {  	[smem:$0x3F8E] =	sst s1;
	(tag) =	ssettag s2;
	_ =	strace s9  }
0x27: {  	s1 =	sld [smem:$0x3F9E]  }
0x28: {  	s2 =	sld [smem:$0x3F9F]  }
0x29: {  	s4 =	sld [smem:$0x3FA1]  }
0x2a: {  	p0 =	seq.s32 s5, $0x0;
	s5 =	sld [smem:$0x3FA2]  }
0x2b: {  	s6 =	sld [smem:$0x3FA3]  }
0x2c: {  	s7 =	sld [smem:$0x3FA4]  }
0x2d: {  	s3 =	simm.s32 $0x108;
	s8 =	sld [smem:$0x3FA5]  }
0x2e: {  	s3 =	simm.s32 @!p0 $0x1082;
	s9 =	sld [smem:$0x3FA6]  }
0x2f: {  	lr =	sadd.s32 s0, s3;
	s0 =	sld [smem:$0x3F9D]  }
0x30: {  	s3 =	sld [smem:$0x3FA0]  }
0x31: {  	[smem:$0x3FA9] =	sst s10  }
0x32: {  	s10 =	sld [smem:$0x3FA7];
	_ =	sdelay $0x3  }
0x33: {  	p0 =	seq.s32 s10, $0x1;
	s10 =	sld [smem:$0x3FA9];
	_ =	sdelay $0x3  }
0x34: {  	[smem:$0x3FA9] =	sst s10  }
0x35: {  	s10 =	sld [smem:$0x3FA8];
	_ =	sdelay $0x3  }
0x36: {  	p1 =	seq.s32 s10, $0x1;
	s10 =	sld [smem:$0x3FA9];
	_ =	sdelay $0x3  }
0x37: {  	[smem:$0x3FA9] =	sst s10  }
0x38: {  	s10 =	sld [smem:$0x3FAA]  }
0x39: {  	_ = 	snop;
	(pc) =	sbr.ind lr, $3  }
0x3a: {  	_ = 	snop  }
0x3b: {  	_ = 	snop  }
0x3c: {  	p2 =	seq.s32 s10, $0x1;
	s10 =	sld [smem:$0x3FA9]  }
0x3d: {  	_ =	shalt  }
0x3e: {  	_ =	shalt  }
0x3f: {  	_ =	shalt  }
0x40: {  	_ =	shalt  }
0x41: {  	_ =	shalt  }
0x42: {  	_ =	shalt  }
0x43: {  	_ =	shalt  }
0x44: {  	_ =	shalt  }
0x45: {  	_ =	shalt  }
0x46: {  	_ =	shalt  }
0x47: {  	_ =	shalt  }
0x48: {  	_ =	shalt  }
0x49: {  	_ =	shalt  }
0x4a: {  	_ =	shalt  }
0x4b: {  	_ =	shalt  }
0x4c: {  	_ =	shalt  }
0x4d: {  	_ =	shalt  }
0x4e: {  	_ =	shalt  }
0x4f: {  	_ =	shalt  }
0x50: {  	_ =	shalt  }
0x51: {  	_ =	shalt  }
0x52: {  	_ =	shalt  }
0x53: {  	_ =	shalt  }
0x54: {  	_ =	shalt  }
0x55: {  	_ =	shalt  }
0x56: {  	_ =	shalt  }
0x57: {  	_ =	shalt  }
0x58: {  	_ =	shalt  }
0x59: {  	_ =	shalt  }
0x5a: {  	_ =	shalt  }
0x5b: {  	_ =	shalt  }
0x5c: {  	_ =	shalt  }
0x5d: {  	_ =	shalt  }
0x5e: {  	_ =	shalt  }
0x5f: {  	_ =	shalt  }
0x60: {  	_ =	shalt  }
0x61: {  	_ =	shalt  }
0x62: {  	_ =	shalt  }
0x63: {  	_ =	shalt  }
0x64: {  	_ =	shalt  }
0x65: {  	_ =	shalt  }
0x66: {  	_ =	shalt  }
0x67: {  	_ =	shalt  }
0x68: {  	_ =	shalt  }
0x69: {  	_ =	shalt  }
0x6a: {  	_ =	shalt  }
0x6b: {  	_ =	shalt  }
0x6c: {  	_ =	shalt  }
0x6d: {  	_ =	shalt  }
0x6e: {  	_ =	shalt  }
0x6f: {  	_ =	shalt  }
0x70: {  	_ =	shalt  }
0x71: {  	_ =	shalt  }
0x72: {  	_ =	shalt  }
0x73: {  	_ =	shalt  }
0x74: {  	_ =	shalt  }
0x75: {  	_ =	shalt  }
0x76: {  	_ =	shalt  }
0x77: {  	_ =	shalt  }
0x78: {  	_ =	shalt  }
0x79: {  	_ =	shalt  }
0x7a: {  	_ =	shalt  }
0x7b: {  	_ =	shalt  }
0x7c: {  	_ =	shalt  }
0x7d: {  	_ =	shalt  }
0x7e: {  	_ =	shalt  }
0x7f: {  	_ =	shalt  }
0x80: {  	_ =	shalt  }
0x81: {  	_ =	shalt  }
0x82: {  	_ =	shalt  }
0x83: {  	_ =	shalt  }
0x84: {  	_ =	shalt  }
0x85: {  	_ =	shalt  }
0x86: {  	_ =	shalt  }
0x87: {  	_ =	shalt  }
.Lfunc_end0:
.L_simem_size_0:
called_computation_lowered:
.L_overlay_start_0:
0x88: {  	s2 =	sld [smem:$0x3FD9]  }
0x89: {  	s3 =	sld [smem:$0x3FFE];
	_ =	sdelay $0x1  }
0x8a: {  	s1 =	srdreg.scid  }
0x8b: {  	s0 =	sand.u32 $0x1, s1  }
0x8c: {  	s17 =	sshll.u32 s0, $0xA;
	s2 =	sadd.s32 s3, s2  }
0x8d: {  	s2 =	sadd.s32 s2, s17  }
0x8e: {  	[smem:$0x3FB5] =	sst s2  }
0x8f: {  	_ = 	snop  }
0x90: {  	s18 =	sld [smem:$0x3FD0];
	(tm) =	ssettm $0x1  }
0x91: {  	s19 =	sld [smem:$0x3FFB];
	_ =	sdelay $0x3  }
0x92: {  	_ =	strace s19  }
0x93: {  	s2 =	sld [smem:$0x3FFC];
	_ =	sdelay $0x3  }
0x94: {  	_ =	strace s2  }
0x95: {  	s2 =	sld [smem:$0x3FFD];
	_ =	sdelay $0x3  }
0x96: {  	_ =	strace s2  }
0x97: {  	_ =	strace $0x8FFFFFFF  }
0x98: {  	s20 =	sld [smem:$0x3FDB];
	_ =	sdelay $0x1  }
0x99: {  	s4 =	simm.s32 $_scs_section_size  }
0x9a: {  	s5 =	simm.s32 $_size__tile_overlayer_lowered;
	s6 =	simm.s32 $_tile_overlayer_lowered  }
0x9b: {  	s7 =	simm.s32 $0x1BFF;
	s21 =	sshll.u32 s6, $0x1;
	s4 =	sadd.s32 s4, s20  }
0x9c: {  	s22 =	simm.s32 $0x0;
	s5 =	sshll.u32 s5, $0x1;
	s6 =	sadd.s32 s21, s4  }
0x9d: {  	[timem:s22], [sflag:s7] =	dma.local [hbm:s6], s5  }
0x9e: {  	_ =	swait.ge [sflag:s7], s5  }
0x9f: {  	s5 =	ssub.s32 $0x0, s5;
	[sflag:s7] =	ssyncset.done $0x0  }
0xa0: {  	[sflag:s7] =	ssyncadd.s32 s5;
	_ =	sdelay $0x1  }
0xa1: {  	s23 =	simm.s32 $0x1B8B  }
0xa2: {  	_ =	swait.ge [sflag:s23], $0x1  }
0xa3: {  	[sflag:s23] =	ssyncset.done $0x0  }
0xa4: {  	[sflag:s23] =	ssyncadd.s32 $0xFFFFFFFF  }
0xa5: {  	s5 =	sld [smem:$0x0]  }
0xa6: {  	s6 =	sand.u32 $0xFFFFFFFE, s1  }
0xa7: {  	p0 =	sne.s32 s1, s6  }
0xa8: {  	s6 =	sshll.u32 @p0 s6, $0xE  }
0xa9: {  	s6 =	sadd.s32 @p0 $0x11B8D, s6;
	s7 =	sshll.u32 @p0 s5, $0x11  }
0xaa: {  	s6 =	sor.u32 @p0 s7, s6  }
0xab: {  	[sflag:s6] =	ssyncadd.remote.s32 @p0 $0x1;
	_ =	sdelay $0x1  }
0xac: {  	s6 =	simm.s32 @p0 $0x1B8D  }
0xad: {  	_ =	swait.eq @p0 [sflag:s6], $0x1  }
0xae: {  	[sflag:s6] =	ssyncadd.s32 @p0 $0xFFFFFFFF  }
0xaf: {  	s7 =	sshll.u32 @!p0 s1, $0xE  }
0xb0: {  	s7 =	sor.u32 @!p0 $0x4000, s7;
	s6 =	simm.s32 @!p0 $0x1B8D  }
0xb1: {  	s5 =	sshll.u32 @!p0 s5, $0x11;
	s7 =	sadd.s32 @!p0 $0x11B8D, s7;
	_ =	swait.eq @!p0 [sflag:s6], $0x1  }
0xb2: {  	s5 =	sor.u32 @!p0 s5, s7;
	[sflag:s6] =	ssyncadd.s32 @!p0 $0xFFFFFFFF  }
0xb3: {  	s25 =	simm.s32 $0x1B8E;
	s24 =	sld [smem:$0x3FFE];
	[sflag:s5] =	ssyncadd.remote.s32 @!p0 $0x1  }
0xb4: {  	s26 =	simm.s32 $execute0_lowered;
	[smem:$0x3FD2] =	sst s25  }
0xb5: {  	s6 =	sshll.u32 s26, $0x1;
	_ =	strace $0x80000049;
	[dreg:$0x1] =	wrdreg $0xFFFFFFFF  }
0xb6: {  	s28 =	simm.s32 $_size_execute0_lowered;
	s4 =	sadd.s32 s4, s6;
	[dreg:$0x0] =	wrdreg $0x0  }
0xb7: {  	s6 =	sshll.u32 s28, $0x1;
	[dreg:$0x2] =	wrdreg s4  }
0xb8: {  	[dreg:$0x3] =	wrdreg s6  }
0xb9: {  	[dreg:$0x4] =	wrdreg $0xC0  }
0xba: {  	_ =	task [dreg:s22], $0x5FFFF  }
0xbb: {  	[dreg:$0x1] =	wrdreg $0xFFFFFFFF  }
0xbc: {  	[dreg:$0x0] =	wrdreg $0x60  }
0xbd: {  	[dreg:$0x2] =	wrdreg s24  }
0xbe: {  	[dreg:$0x3] =	wrdreg s18  }
0xbf: {  	[dreg:$0x4] =	wrdreg $0x2F800  }
0xc0: {  	[dreg:$0x5] =	wrdreg $0x9  }
0xc1: {  	_ =	task.clear_ibuf [dreg:s22], $0x6FFFF;
	_ =	strace $0x90000049  }
0xc2: {  	s29 =	simm.s32 $0x9;
	_ =	strace $0x8000004B  }
0xc3: {  	_ =	swait.ge [sflag:s29], $0x1  }
0xc4: {  	[sflag:s29] =	ssyncadd.s32 $0xFFFFFFFF  }
0xc5: {  	_ =	strace $0x9000004B  }
0xc6: {  	_ =	sfence  }
0xc7: {  	s30 =	sld [smem:$0x0];
	_ =	sdelay $0x2  }
0xc8: {  	s31 =	sshll.u32 s1, $0xD;
	s1 =	sshrl.u32 s1, $0x2  }
0xc9: {  	s4 =	sand.u32 $0x4000, s31;
	s1 =	sadd.s32 s1, s30  }
0xca: {  	s0 =	sor.u32 s4, s0;
	s1 =	sshll.u32 s1, $0x11  }
0xcb: {  	s0 =	sor.u32 s1, s0  }
0xcc: {  	s0 =	sadd.s32 $0x8F2B, s0  }
0xcd: {  	[sflag:s0] =	ssyncadd.remote.s32 $0x1  }
0xce: {  	_ =	sfence.sel $0xFFFF  }
0xcf: {  	[dreg:$0x0] =	wrdreg $0xFFFFFFFF;
	(pc) =	sbr.abs _section_cstart, $3  }
0xd0: {  	[dreg:$0x1] =	wrdreg $0xFFFFFFFF  }
0xd1: {  	_ =	task.clear_ibuf [dreg:s22], $0x2FFFF;
	_ =	strace $0x9FFFFFFF  }
0xd2: {  	(tm) =	ssettm $0x7FFFFFFF  }
0xd3: {  	_ =	shalt  }
tec
execute0_lowered:
.L_overlay_start_1:
0x0: {  	(tag) =	ssettag $0x1  }
0x1: {  	s6 =	rddreg [dreg:$0x0]  }
0x2: {  	s2 =	rddreg [dreg:$0x1]  }
0x3: {  	s0 =	srdreg.scid;
	s3 =	rddreg [dreg:$0x2]  }
0x4: {  	s1 =	stileid.u32;
	s4 =	simm.s32 $0x0;
	s13 =	simm.s32 $0x80  }
0x5: {  	s14 =	simm.s32 $0x0;
	s5 =	sand.u32 $0x1, s0;
	s0 =	rddreg [dreg:$0x3]  }
0x6: {  	s8 =	smul.u32 $0x4E80, s1;
	[smem:$0x7FF] =	sst s4;
	s11 =	sshll.u32 s1, $0x6  }
0x7: {  	s7 =	sshll.u32 s5, $0x4;
	s9 =	smul.u32 $0x4E800, s5;
	_ =	strace $0x8000004A  }
0x8: {  	s10 =	ssub.s32 $0x2, s5;
	s5 =	sadd.s32 $0x65600, s6;
	s11 =	sor.u32 $0x1C01, s11  }
0x9: {  	s7 =	sor.u32 s1, s7;
	s31 =	sshrl.u32 s10, $0x1;
	s12 =	sadd.s32 s8, s3  }
0xa: {  	s7 =	smul.u32 $0x4F0, s7;
	s9 =	sadd.s32 s8, s9;
	s10 =	ssub.s32 s10, s31  }
0xb: {  	s12 =	sshrl.u32 s12, $0x3;
	s9 =	sshrl.u32 s9, $0x3;
	s8 =	smax.u32 s10, $0x1  }
0xc: {  	s10 =	simm.s32 $0x2780;
	s7 =	sadd.s32 s7, s6;
	s9 =	sadd.s32 s9, s6  }
0xd: {  	s6 =	sadd.s32 $0xA00, s7;
	s7 =	sadd.s32 $0xB0800, s9;
	s9 =	simm.s32 $0x1  }
.LBB2_1:
0xe: {  	[tilespmem:s4], [sflag:$0x1] =	stream.linear.gather [hbm4b:s6+s4], $0x2780, $0x38;
	[tilespmem:$0x7E00] =	vst v63  }
0xf: {  	_ =	swait.ge [sflag:s9], $0x2780  }
0x10: {  	[sflag:s9] =	ssyncset.done $0x0  }
0x11: {  	[sflag:s9] =	ssyncadd.s32 $0xFFFFD880  }
0x12: {  	[tilespmem:s10], [sflag:$0x1] =	stream.linear.gather [hbm4b:s2+s4], $0x800, $0x38;
	[tilespmem:$0x7E00] =	vst v63  }
0x13: {  	_ =	swait.ge [sflag:s9], $0x800  }
0x14: {  	[sflag:s9] =	ssyncset.done $0x0  }
0x15: {  	[sflag:s9] =	ssyncadd.s32 $0xFFFFF800  }
0x16: {  	[spmem:s12], [sflag:s11] =	dma.local [hbm:s5], $0x9D0  }
0x17: {  	_ =	swait.ge [sflag:s9], $0x9D0  }
0x18: {  	[sflag:s9] =	ssyncset.done $0x0  }
0x19: {  	[sflag:s9] =	ssyncadd.s32 $0xFFFFF630  }
0x1a: {  	s15 =	simm.s32 $0x0;
	[bflag:$0x0] =	sbarrier.arrive $0xFFFF  }
0x1b: {  	[spmem:s3] =	stream.indirect.scatter.add.f32 [tilespmem:s10], [sflag:$0x1], $0x10, s15, s13, $0xb8;
	[tilespmem:$0x7E00] =	vst v63  }
0x1c: {  	_ =	swait.ge [sflag:s9], $0x800  }
0x1d: {  	s15 =	simm.s32 $0x200;
	[sflag:s9] =	ssyncset.done $0x0  }
.LBB2_2:
0x1e: {  	s16 =	sshra.s32 s15, $0x2;
	[sflag:s9] =	ssyncadd.s32 $0xFFFFF800;
	p0 =	sne.s32 s15, $0x9C00  }
0x1f: {  	[spmem:s3] =	stream.indirect.scatter.add.f32 [tilespmem:s10], [sflag:$0x1], $0x10, s16, s13, $0xb8;
	[tilespmem:$0x7E00] =	vst v63  }
.Ltmp0:
0x20: {  	_ = 	snop;
	(pc) =	sbr.rel @p0 .LBB2_2-.Ltmp0, $4  }
0x21: {  	_ = 	snop  }
0x22: {  	s15 =	sadd.s32 $0x200, s15  }
0x23: {  	_ =	swait.ge [sflag:s9], $0x800  }
0x24: {  	[sflag:s9] =	ssyncset.done $0x0  }
0x25: {  	s14 =	sadd.s32 $0x1, s14  }
0x26: {  	[sflag:s9] =	ssyncadd.s32 $0xFFFFF800;
	p0 =	sne.s32 s14, s8  }
.Ltmp1:
0x27: {  	[bflag:$0x0] =	sbarrier.arrive $0xFFFF;
	(pc) =	sbr.rel @p0 .LBB2_1-.Ltmp1, $4  }
0x28: {  	[hbm:s7], [sflag:s11] =	dma.local [spmem:s12], $0x9D0  }
0x29: {  	_ =	swait.ge [sflag:s9], $0x9D0  }
0x2a: {  	[sflag:s9] =	ssyncset.done $0x0  }
0x2b: {  	[sflag:s9] =	ssyncadd.s32 $0xFFFFF630  }
0x2c: {  	_ =	sfence.sel $0x180000  }
0x2d: {  	[bflag:$0x0] =	sbarrier.arrive $0xFFFF  }
0x2e: {  	p0 =	sne.s32 s1, $0x0;
	_ =	strace $0x9000004A  }
0x2f: {  	s0 =	sadd.s32 @!p0 $0x100000, s0;
	[bflag:$0x2] =	sbarrier.arrive $0xFFFF  }
0x30: {  	[sflag:s0] =	ssyncadd.tile.s32 @!p0 $0x1;
	_ =	shalt  }
.Lfunc_end2:
_tile_overlayer_lowered:
.L_overlay_start_2:
0x31: {  	(tag) =	ssettag $0x2  }
0x32: {  	s0 =	rddreg [dreg:$0x0];
	s2 =	stileid.u32  }
0x33: {  	s1 =	rddreg [dreg:$0x1];
	p0 =	sne.s32 s2, $0x0  }
0x34: {  	s3 =	rddreg [dreg:$0x2];
	[bflag:$0x3] =	sbarrier.arrive $0xFFFF;
	s2 =	simm.s32 @!p0 $0x1C01  }
0x35: {  	[timem:s3], [sflag:s2] =	dma.local @!p0 [hbm:s0], s1  }
0x36: {  	s0 =	simm.s32 @!p0 $0x1  }
0x37: {  	_ =	swait.ge @!p0 [sflag:s0], s1  }
0x38: {  	s1 =	ssub.s32 @!p0 $0x0, s1;
	[sflag:s0] =	ssyncset.done @!p0 $0x0  }
0x39: {  	[sflag:s0] =	ssyncadd.s32 @!p0 s1  }
0x3a: {  	[bflag:$0x3] =	sbarrier.arrive $0xFFFF  }
0x3b: {  	_ =	shalt  }

</sc_bundles>
